<compile_context>
chip_gen: v7x
topology: tpu7x:2x2x1
jax: 0.10.2.dev20260603
libtpu: 0.0.44.dev20260713+nightly
codegen_flags: <defaults>
</compile_context>

<pallas_src>
import functools

import jax
import jax.numpy as jnp
from jax import lax
from jax.experimental import pallas as pl
from jax.experimental.pallas import tpu as pltpu
from jax.experimental.pallas import tpu_sc as plsc

N_CELLS = 16384
N_HIDDEN = 256
N_LABELS = 512
NC = 2
NS = 16
FH = 128
CHUNK = 128
CPT = 16
CELLS_PER_TILE = CHUNK * CPT


def _sc_body(pl_lat, pl_lab, tr_lat, tr_lab, parts, cnts,
             table, rowbuf0, rowbuf1, labbuf, cnt, sem0, sem1):
    i32 = jnp.int32
    f32 = jnp.float32
    cid = lax.axis_index("c")
    sid = lax.axis_index("s")
    half = sid % 2
    grp = sid // 2
    wid = cid * NS + sid

    zeros16 = jnp.zeros((16,), f32)
    iota16 = lax.iota(i32, 16)
    ones16 = jnp.ones((16,), f32)
    mask0 = iota16 < 1
    zeros16_i = jnp.zeros((16,), i32)

    @plsc.parallel_loop(0, N_LABELS, unroll=2)
    def _ztab(r):
        for k in range(FH // 16):
            table[r, pl.ds(k * 16, 16)] = zeros16

    @plsc.parallel_loop(0, N_LABELS // 16, unroll=2)
    def _zcnt(r):
        cnt[0, pl.ds(r * 16, 16)] = zeros16

    bufs = (rowbuf0, rowbuf1)
    sems = (sem0, sem1)

    def run(lat, lab):
        pltpu.sync_copy(lab.at[pl.ds(grp * CELLS_PER_TILE, CELLS_PER_TILE)],
                        labbuf)

        def chunk_slice(j):
            base = grp * CELLS_PER_TILE + j * CHUNK
            return lat.at[pl.ds(base, CHUNK), pl.ds(half * FH, FH)]

        pltpu.async_copy(chunk_slice(0), bufs[0], sems[0])

        def pair(jj, c):
            for phase in range(2):
                j = jj * 2 + phase
                nxt = j + 1

                @pl.when(nxt < CPT)
                def _():
                    pltpu.async_copy(chunk_slice(nxt), bufs[(phase + 1) % 2],
                                     sems[(phase + 1) % 2])

                pltpu.make_async_copy(chunk_slice(j), bufs[phase],
                                      sems[phase]).wait()
                buf = bufs[phase]

                @plsc.parallel_loop(0, CHUNK, unroll=4)
                def _cell(ci):
                    splat_cell = jnp.full((16,), j * CHUNK, i32) + ci
                    lab_splat = plsc.load_gather(labbuf, [splat_cell])
                    for k in range(FH // 16):
                        row_k = buf[ci, pl.ds(k * 16, 16)]
                        plsc.addupdate_scatter(
                            table, [lab_splat, k * 16 + iota16], row_k)
                    plsc.addupdate_scatter(cnt, [zeros16_i, lab_splat], ones16,
                                           mask=mask0)
            return c
        lax.fori_loop(0, CPT // 2, pair, 0)

        pltpu.sync_copy(table, parts.at[wid])
        pltpu.sync_copy(cnt, cnts.at[wid])

    @pl.when(cid == 0)
    def _pseudo():
        run(pl_lat, pl_lab)

    @pl.when(cid == 1)
    def _true():
        run(tr_lat, tr_lab)


def _combine_kernel(parts, cnts, cp_f, ct_f, pc, tc, nc, out):
    cp = jnp.transpose(cp_f[...], (1, 0))
    ct = jnp.transpose(ct_f[...], (1, 0))
    def assemble(base):
        low = parts[base]
        high = parts[base + 1]
        for g in range(1, NS // 2):
            low = low + parts[base + 2 * g]
            high = high + parts[base + 2 * g + 1]
        return jnp.concatenate([low, high], axis=1)

    def count_sum(base):
        c = cnts[base]
        for j in range(1, NS):
            c = c + cnts[base + j]
        return jnp.reshape(c * 0.5, (N_LABELS, 1))

    sums_p = assemble(0)
    sums_t = assemble(NS)
    counts_p = count_sum(0)
    counts_t = count_sum(NS)

    reset = jnp.max(pc[...]) >= float(N_LABELS) * 1000.0
    pcs = jnp.where(reset, jnp.ones_like(pc[...]), pc[...])
    tcs = tc[...]

    cent_p = sums_p / jnp.maximum(counts_p, 1.0)
    mask_p = counts_p > 5.0
    cp_new = jnp.where(mask_p,
                       (cp * pcs + cent_p * counts_p) / (pcs + counts_p),
                       cp)

    cent_t = sums_t / jnp.maximum(counts_t, 1.0)
    mask_t = counts_t > 5.0
    ct_new = jnp.where(mask_t,
                       (ct * tcs + cent_t * counts_t) / (tcs + counts_t),
                       ct)

    mse = jnp.sum((cp_new - ct_new) ** 2) / float(N_LABELS * N_HIDDEN)

    pc_new = jnp.where(mask_p, pcs + counts_p, pcs)
    t = pc_new / jnp.sum(pc_new)
    kl = jnp.sum(jnp.where(t > 0.0,
                           t * (jnp.log(t) - jnp.log(nc[...])),
                           0.0)) / float(N_LABELS)
    out[...] = jnp.reshape(mse + kl, (1, 1))


@jax.jit
def _run(pl_lat, pl_lab, tr_lat, tr_lab, cp, ct, pc, tc, nc):
    f32 = jnp.float32
    sc_segsum = functools.partial(
        pl.kernel,
        out_type=(
            jax.ShapeDtypeStruct((NC * NS, N_LABELS, FH), f32),
            jax.ShapeDtypeStruct((NC * NS, 1, N_LABELS), f32),
        ),
        mesh=plsc.VectorSubcoreMesh(core_axis_name="c", subcore_axis_name="s"),
        compiler_params=pltpu.CompilerParams(needs_layout_passes=False),
        scratch_types=[
            pltpu.VMEM((N_LABELS, FH), f32),
            pltpu.VMEM((CHUNK, FH), f32),
            pltpu.VMEM((CHUNK, FH), f32),
            pltpu.VMEM((CELLS_PER_TILE,), jnp.int32),
            pltpu.VMEM((1, N_LABELS), f32),
            pltpu.SemaphoreType.DMA,
            pltpu.SemaphoreType.DMA,
        ],
    )(_sc_body)
    parts, cnts = sc_segsum(pl_lat, pl_lab, tr_lat, tr_lab)

    out = pl.pallas_call(
        _combine_kernel,
        out_shape=jax.ShapeDtypeStruct((1, 1), f32),
    )(parts, cnts, cp, ct, pc, tc, nc)
    return out[0, 0]


def kernel(pseudo_latent, pseudo_labels, true_latent, true_labels,
           centroids_pseudo, pseudo_count, centroids_true, true_count, ncells):
    pl_lab = pseudo_labels.astype(jnp.int32)
    tr_lab = true_labels.astype(jnp.int32)
    pc = pseudo_count.reshape(N_LABELS, 1)
    tc = true_count.reshape(N_LABELS, 1)
    nc = ncells.reshape(N_LABELS, 1)
    return _run(pseudo_latent, pl_lab, true_latent, tr_lab,
                centroids_pseudo, centroids_true, pc, tc, nc)

# --- scband reference (transcript-rebuilt; emitter-appended) ---
"""Pipeline reference for scband-semantic-loss-33526514713052 (READ-ONLY COPY).

The authoritative reference and input builder live on the scoring server;
editing this copy changes nothing except your own understanding.
"""

import jax, jax.numpy as jnp
import numpy as np

N_CELLS = 16384
N_HIDDEN = 256
N_LABELS = 512


def setup_inputs(seed: int = 0) -> dict:
    key = jax.random.key(seed)
    k1, k2, k3, k4, k5, k6 = jax.random.split(key, 6)
    pseudo_latent = jax.random.normal(k1, (N_CELLS, N_HIDDEN), dtype=jnp.float32)
    pseudo_labels = jax.random.randint(k2, (N_CELLS,), 0, N_LABELS)
    true_latent = jax.random.normal(k3, (N_CELLS, N_HIDDEN), dtype=jnp.float32)
    true_labels = jax.random.randint(k4, (N_CELLS,), 0, N_LABELS)
    # module state materialized as inputs (as created in __init__)
    centroids_pseudo = jax.random.normal(k5, (N_HIDDEN, N_LABELS), dtype=jnp.float32)
    pseudo_count = jnp.ones((N_LABELS,), dtype=jnp.float32)
    centroids_true = jax.random.normal(k6, (N_HIDDEN, N_LABELS), dtype=jnp.float32)
    true_count = jnp.ones((N_LABELS,), dtype=jnp.float32)
    ncells = jnp.ones((N_LABELS,), dtype=jnp.float32) / float(N_LABELS)  # true_count / true_count.sum()
    return {
        'pseudo_latent': pseudo_latent,
        'pseudo_labels': pseudo_labels,
        'true_latent': true_latent,
        'true_labels': true_labels,
        'centroids_pseudo': centroids_pseudo,
        'pseudo_count': pseudo_count,
        'centroids_true': centroids_true,
        'true_count': true_count,
        'ncells': ncells,
    }


def _centroid_update(latent, labels, centroids, count_state):
    # vectorized equivalent of the per-unique-label loop:
    # labels absent have count 0 (fails count > 5), so looping over all
    # labels with a mask is identical to looping over labels.unique().
    n_labels = centroids.shape[1]
    ones = jnp.ones((latent.shape[0],), dtype=latent.dtype)
    counts = jax.ops.segment_sum(ones, labels, num_segments=n_labels)          # [L]
    sums = jax.ops.segment_sum(latent, labels, num_segments=n_labels)         # [L, d]
    cent = (sums / jnp.maximum(counts, 1.0)[:, None]).T                        # [d, L]
    mask = counts > 5.0
    new_avg = (centroids * count_state[None, :] + cent * counts[None, :]) / (count_state + counts)[None, :]
    centroids_new = jnp.where(mask[None, :], new_avg, centroids)
    count_new = jnp.where(mask, count_state + counts, count_state)
    return centroids_new, count_new


def reference(pseudo_latent, pseudo_labels, true_latent, true_labels,
              centroids_pseudo, pseudo_count, centroids_true, true_count, ncells):
    ncells_max = float(N_LABELS) * 1000.0  # true_count.sum() * 1000 at init
    reset = pseudo_count.max() >= ncells_max
    pseudo_count = jnp.where(reset, jnp.ones_like(pseudo_count), pseudo_count)

    cp_new, pc_new = _centroid_update(pseudo_latent, pseudo_labels, centroids_pseudo, pseudo_count)
    ct_new, tc_new = _centroid_update(true_latent, true_labels, centroids_true, true_count)

    # F.kl_div(ncells.log(), pseudo_count/sum) with default reduction='mean':
    # mean over elements of target * (log(target) - input)
    t = pc_new / pc_new.sum()
    kl_density = jnp.mean(jnp.where(t > 0, t * (jnp.log(t) - jnp.log(ncells)), 0.0))

    semantic_loss = jnp.mean((cp_new - ct_new) ** 2) + kl_density
    return semantic_loss

if __name__ == "__main__":
    import jax
    _d = setup_inputs()
    print(jax.jit(kernel)(*tuple(_d.values())))

</pallas_src>

<mosaic_0001>
#map = affine_map<(d0, d1) -> (0, 0)>
#map1 = affine_map<(d0, d1) -> (0)>
#map2 = affine_map<(d0, d1) -> (0, 0, 0)>
module attributes {stable_mosaic.version = 14 : i64} {
  func.func @_sc_body(%arg0: i32, %arg1: i32, %arg2: memref<16384x256xf32, #tpu.memory_space<hbm>>, %arg3: memref<16384xi32, #tpu.memory_space<hbm>>, %arg4: memref<16384x256xf32, #tpu.memory_space<hbm>>, %arg5: memref<16384xi32, #tpu.memory_space<hbm>>, %arg6: memref<32x512x128xf32, #tpu.memory_space<hbm>>, %arg7: memref<32x1x512xf32, #tpu.memory_space<hbm>>, %arg8: memref<512x128xf32, #tpu.memory_space<vmem>>, %arg9: memref<128x128xf32, #tpu.memory_space<vmem>>, %arg10: memref<128x128xf32, #tpu.memory_space<vmem>>, %arg11: memref<2048xi32, #tpu.memory_space<vmem>>, %arg12: memref<1x512xf32, #tpu.memory_space<vmem>>, %arg13: memref<!tpu.dma_semaphore, #tpu.memory_space<semaphore_mem>>, %arg14: memref<!tpu.dma_semaphore, #tpu.memory_space<semaphore_mem>>) attributes {dimension_semantics = [#tpu.dimension_semantics<core_parallel>, #tpu.dimension_semantics<subcore_parallel>], iteration_bounds = array<i64: 2, 16>, scalar_prefetch = 0 : i64, scratch_operands = 7 : i64, tpu.core_type = #tpu.core_type<sc_vector_subcore>, window_params = [{transform_indices = #map}, {transform_indices = #map1}, {transform_indices = #map}, {transform_indices = #map1}, {transform_indices = #map2}, {transform_indices = #map2}]} {
    %jit3A = arith.constant 2 : i32
    %eq3A = arith.constant 0 : i32
    %eq3A_0 = arith.cmpi eq, %jit3A, %eq3A : i32
    %jit3A_1 = arith.constant 1 : i32
    %select_n3A = arith.select %eq3A_0, %jit3A_1, %jit3A : i32
    %rem3A = arith.remsi %arg1, %select_n3A : i32
    %ne3A = arith.constant 0 : i32
    %ne3A_2 = arith.cmpi ne, %rem3A, %ne3A : i32
    %lt3A = arith.constant 0 : i32
    %lt3A_3 = arith.cmpi slt, %rem3A, %lt3A : i32
    %lt3A_4 = arith.constant 0 : i32
    %lt3A_5 = arith.cmpi slt, %select_n3A, %lt3A_4 : i32
    %ne3A_6 = arith.xori %lt3A_3, %lt3A_5 : i1
    %and3A = arith.andi %ne3A_6, %ne3A_2 : i1
    %add3A = arith.addi %rem3A, %select_n3A : i32
    %select_n3A_7 = arith.select %and3A, %add3A, %rem3A : i32
    %jit3A_8 = arith.constant 2 : i32
    %div3A = arith.divsi %arg1, %jit3A_8 : i32
    %sign3A = arith.constant 0 : i32
    %sign3A_9 = arith.cmpi sgt, %arg1, %sign3A : i32
    %sign3A_10 = arith.extui %sign3A_9 : i1 to i32
    %sign3A_11 = arith.constant 0 : i32
    %sign3A_12 = arith.cmpi slt, %arg1, %sign3A_11 : i32
    %sign3A_13 = arith.extui %sign3A_12 : i1 to i32
    %sign3A_14 = arith.subi %sign3A_10, %sign3A_13 : i32
    %sign3A_15 = arith.constant 0 : i32
    %sign3A_16 = arith.cmpi sgt, %jit3A_8, %sign3A_15 : i32
    %sign3A_17 = arith.extui %sign3A_16 : i1 to i32
    %sign3A_18 = arith.constant 0 : i32
    %sign3A_19 = arith.cmpi slt, %jit3A_8, %sign3A_18 : i32
    %sign3A_20 = arith.extui %sign3A_19 : i1 to i32
    %sign3A_21 = arith.subi %sign3A_17, %sign3A_20 : i32
    %ne3A_22 = arith.cmpi ne, %sign3A_14, %sign3A_21 : i32
    %rem3A_23 = arith.remsi %arg1, %jit3A_8 : i32
    %ne3A_24 = arith.constant 0 : i32
    %ne3A_25 = arith.cmpi ne, %rem3A_23, %ne3A_24 : i32
    %and3A_26 = arith.andi %ne3A_22, %ne3A_25 : i1
    %sub3A = arith.constant 1 : i32
    %sub3A_27 = arith.subi %div3A, %sub3A : i32
    %select_n3A_28 = arith.select %and3A_26, %sub3A_27, %div3A : i32
    %mul3A = arith.constant 16 : i32
    %mul3A_29 = arith.muli %arg0, %mul3A : i32
    %add3A_30 = arith.addi %mul3A_29, %arg1 : i32
    %broadcast_in_dim3A = arith.constant 0.000000e+00 : f32
    %broadcast_in_dim3A_31 = vector.broadcast %broadcast_in_dim3A : f32 to vector<16xf32>
    %iota3A = tpu.iota {dimensions = array<i32: 0>} : vector<16xi32>
    %broadcast_in_dim3A_32 = arith.constant 1.000000e+00 : f32
    %broadcast_in_dim3A_33 = vector.broadcast %broadcast_in_dim3A_32 : f32 to vector<16xf32>
    %lt3A_34 = arith.constant 1 : i32
    %lt3A_35 = vector.broadcast %lt3A_34 : i32 to vector<16xi32>
    %lt3A_36 = arith.cmpi slt, %iota3A, %lt3A_35 : vector<16xi32>
    %broadcast_in_dim3A_37 = arith.constant 0 : i32
    %broadcast_in_dim3A_38 = vector.broadcast %broadcast_in_dim3A_37 : i32 to vector<16xi32>
    %parallel_loop3A = arith.constant 0 : i32
    %parallel_loop3A_39 = arith.constant 512 : i32
    %parallel_loop3A_40 = arith.constant 1 : i32
    scf.for %parallel_loop3A_52 = %parallel_loop3A to %parallel_loop3A_39 step %parallel_loop3A_40  : i32 {
      %parallel_loop3A_53 = arith.index_cast %parallel_loop3A_52 : i32 to index
      %parallel_loop3A_54 = arith.constant 0 : index
      %parallel_loop3A_55 = tpu.vector_load %arg8[%parallel_loop3A_53, %parallel_loop3A_54] {strides = array<i32>} : memref<512x128xf32, #tpu.memory_space<vmem>>, vector<16xf32>,
      tpu.vector_store %arg8[%parallel_loop3A_53, %parallel_loop3A_54], %broadcast_in_dim3A_31 {strides = array<i32>} : memref<512x128xf32, #tpu.memory_space<vmem>>, vector<16xf32>,
      %parallel_loop3A_56 = arith.index_cast %parallel_loop3A_52 : i32 to index
      %parallel_loop3A_57 = arith.constant 16 : index
      %parallel_loop3A_58 = tpu.vector_load %arg8[%parallel_loop3A_56, %parallel_loop3A_57] {strides = array<i32>} : memref<512x128xf32, #tpu.memory_space<vmem>>, vector<16xf32>,
      tpu.vector_store %arg8[%parallel_loop3A_56, %parallel_loop3A_57], %broadcast_in_dim3A_31 {strides = array<i32>} : memref<512x128xf32, #tpu.memory_space<vmem>>, vector<16xf32>,
      %parallel_loop3A_59 = arith.index_cast %parallel_loop3A_52 : i32 to index
      %parallel_loop3A_60 = arith.constant 32 : index
      %parallel_loop3A_61 = tpu.vector_load %arg8[%parallel_loop3A_59, %parallel_loop3A_60] {strides = array<i32>} : memref<512x128xf32, #tpu.memory_space<vmem>>, vector<16xf32>,
      tpu.vector_store %arg8[%parallel_loop3A_59, %parallel_loop3A_60], %broadcast_in_dim3A_31 {strides = array<i32>} : memref<512x128xf32, #tpu.memory_space<vmem>>, vector<16xf32>,
      %parallel_loop3A_62 = arith.index_cast %parallel_loop3A_52 : i32 to index
      %parallel_loop3A_63 = arith.constant 48 : index
      %parallel_loop3A_64 = tpu.vector_load %arg8[%parallel_loop3A_62, %parallel_loop3A_63] {strides = array<i32>} : memref<512x128xf32, #tpu.memory_space<vmem>>, vector<16xf32>,
      tpu.vector_store %arg8[%parallel_loop3A_62, %parallel_loop3A_63], %broadcast_in_dim3A_31 {strides = array<i32>} : memref<512x128xf32, #tpu.memory_space<vmem>>, vector<16xf32>,
      %parallel_loop3A_65 = arith.index_cast %parallel_loop3A_52 : i32 to index
      %parallel_loop3A_66 = arith.constant 64 : index
      %parallel_loop3A_67 = tpu.vector_load %arg8[%parallel_loop3A_65, %parallel_loop3A_66] {strides = array<i32>} : memref<512x128xf32, #tpu.memory_space<vmem>>, vector<16xf32>,
      tpu.vector_store %arg8[%parallel_loop3A_65, %parallel_loop3A_66], %broadcast_in_dim3A_31 {strides = array<i32>} : memref<512x128xf32, #tpu.memory_space<vmem>>, vector<16xf32>,
      %parallel_loop3A_68 = arith.index_cast %parallel_loop3A_52 : i32 to index
      %parallel_loop3A_69 = arith.constant 80 : index
      %parallel_loop3A_70 = tpu.vector_load %arg8[%parallel_loop3A_68, %parallel_loop3A_69] {strides = array<i32>} : memref<512x128xf32, #tpu.memory_space<vmem>>, vector<16xf32>,
      tpu.vector_store %arg8[%parallel_loop3A_68, %parallel_loop3A_69], %broadcast_in_dim3A_31 {strides = array<i32>} : memref<512x128xf32, #tpu.memory_space<vmem>>, vector<16xf32>,
      %parallel_loop3A_71 = arith.index_cast %parallel_loop3A_52 : i32 to index
      %parallel_loop3A_72 = arith.constant 96 : index
      %parallel_loop3A_73 = tpu.vector_load %arg8[%parallel_loop3A_71, %parallel_loop3A_72] {strides = array<i32>} : memref<512x128xf32, #tpu.memory_space<vmem>>, vector<16xf32>,
      tpu.vector_store %arg8[%parallel_loop3A_71, %parallel_loop3A_72], %broadcast_in_dim3A_31 {strides = array<i32>} : memref<512x128xf32, #tpu.memory_space<vmem>>, vector<16xf32>,
      %parallel_loop3A_74 = arith.index_cast %parallel_loop3A_52 : i32 to index
      %parallel_loop3A_75 = arith.constant 112 : index
      %parallel_loop3A_76 = tpu.vector_load %arg8[%parallel_loop3A_74, %parallel_loop3A_75] {strides = array<i32>} : memref<512x128xf32, #tpu.memory_space<vmem>>, vector<16xf32>,
      tpu.vector_store %arg8[%parallel_loop3A_74, %parallel_loop3A_75], %broadcast_in_dim3A_31 {strides = array<i32>} : memref<512x128xf32, #tpu.memory_space<vmem>>, vector<16xf32>,
    } {sc.loop_unroll_factor = 2 : i64, sc.parallel_access}
    %parallel_loop3A_41 = arith.constant 0 : i32
    %parallel_loop3A_42 = arith.constant 32 : i32
    %parallel_loop3A_43 = arith.constant 1 : i32
    scf.for %parallel_loop3A_52 = %parallel_loop3A_41 to %parallel_loop3A_42 step %parallel_loop3A_43  : i32 {
      %parallel_loop3A_53 = arith.constant 16 : i32
      %parallel_loop3A_54 = arith.muli %parallel_loop3A_52, %parallel_loop3A_53 : i32
      %parallel_loop3A_55 = arith.constant 0 : i32
      %parallel_loop3A_56 = arith.index_cast %parallel_loop3A_55 : i32 to index
      %parallel_loop3A_57 = arith.index_cast %parallel_loop3A_54 : i32 to index
      %parallel_loop3A_58 = tpu.vector_load %arg12[%parallel_loop3A_56, %parallel_loop3A_57] {strides = array<i32>} : memref<1x512xf32, #tpu.memory_space<vmem>>, vector<16xf32>,
      tpu.vector_store %arg12[%parallel_loop3A_56, %parallel_loop3A_57], %broadcast_in_dim3A_31 {strides = array<i32>} : memref<1x512xf32, #tpu.memory_space<vmem>>, vector<16xf32>,
    } {sc.loop_unroll_factor = 2 : i64, sc.parallel_access}
    %eq3A_44 = arith.constant 0 : i32
    %eq3A_45 = arith.cmpi eq, %arg0, %eq3A_44 : i32
    %convert_element_type3A = arith.extui %eq3A_45 : i1 to i32
    %cond3A = arith.constant 0 : i32
    %cond3A_46 = arith.cmpi ne, %convert_element_type3A, %cond3A : i32
    scf.if %cond3A_46 {
      %mul3A_52 = arith.constant 2048 : i32
      %mul3A_53 = arith.muli %select_n3A_28, %mul3A_52 : i32
      "tpu.region"() ({
        %run_scoped3A = tpu.sem_alloc : memref<!tpu.dma_semaphore, #tpu.memory_space<semaphore_mem>>
        %dma_start3A_66 = tpu.memref_slice %arg3[%mul3A_53] : memref<16384xi32, #tpu.memory_space<hbm>> -> memref<2048xi32, #tpu.memory_space<hbm>>
        %dma_start3A_67 = tpu.memref_slice %arg3[%mul3A_53] : memref<16384xi32, #tpu.memory_space<hbm>> -> memref<2048xi32, #tpu.memory_space<hbm>>
        tpu.enqueue_dma source(%dma_start3A_67 : memref<2048xi32, #tpu.memory_space<hbm>>) target(%arg11 : memref<2048xi32, #tpu.memory_space<vmem>>) target_semaphore(%run_scoped3A : memref<!tpu.dma_semaphore, #tpu.memory_space<semaphore_mem>>)
        %dma_wait3A = tpu.memref_slice %arg3[%mul3A_53] : memref<16384xi32, #tpu.memory_space<hbm>> -> memref<2048xi32, #tpu.memory_space<hbm>>
        %dma_wait3A_68 = tpu.memref_slice %arg3[%mul3A_53] : memref<16384xi32, #tpu.memory_space<hbm>> -> memref<2048xi32, #tpu.memory_space<hbm>>
        tpu.wait_dma2 semaphore(%run_scoped3A : memref<!tpu.dma_semaphore, #tpu.memory_space<semaphore_mem>>) src(%dma_wait3A_68 : memref<2048xi32, #tpu.memory_space<hbm>>) dst(%arg11 : memref<2048xi32, #tpu.memory_space<vmem>>)
        tpu.yield
      }) : () -> ()
      %mul3A_54 = arith.constant 2048 : i32
      %mul3A_55 = arith.muli %select_n3A_28, %mul3A_54 : i32
      %add3A_56 = arith.constant 0 : i32
      %add3A_57 = arith.addi %mul3A_55, %add3A_56 : i32
      %mul3A_58 = arith.constant 128 : i32
      %mul3A_59 = arith.muli %select_n3A_7, %mul3A_58 : i32
      %dma_start3A = tpu.memref_slice %arg2[%add3A_57, %mul3A_59] : memref<16384x256xf32, #tpu.memory_space<hbm>> -> memref<128x128xf32, #tpu.memory_space<hbm>>
      %dma_start3A_60 = tpu.memref_slice %arg2[%add3A_57, %mul3A_59] : memref<16384x256xf32, #tpu.memory_space<hbm>> -> memref<128x128xf32, #tpu.memory_space<hbm>>
      tpu.enqueue_dma source(%dma_start3A_60 : memref<128x128xf32, #tpu.memory_space<hbm>>) target(%arg9 : memref<128x128xf32, #tpu.memory_space<vmem>>) target_semaphore(%arg13 : memref<!tpu.dma_semaphore, #tpu.memory_space<semaphore_mem>>)
      %scan3A = arith.constant 0 : i32
      %scan3A_61 = arith.constant 0 : i32
      %scan3A_62 = arith.constant 8 : i32
      %scan3A_63 = arith.addi %scan3A_61, %scan3A_62 : i32
      %scan3A_64 = arith.constant 1 : i32
      scf.for %scan3A_66 = %scan3A_61 to %scan3A_63 step %scan3A_64  : i32 {
        %mul3A_67 = arith.constant 2 : i32
        %mul3A_68 = arith.muli %scan3A_66, %mul3A_67 : i32
        %add3A_69 = arith.constant 0 : i32
        %add3A_70 = arith.addi %mul3A_68, %add3A_69 : i32
        %add3A_71 = arith.constant 1 : i32
        %add3A_72 = arith.addi %add3A_70, %add3A_71 : i32
        %lt3A_73 = arith.constant 16 : i32
        %lt3A_74 = arith.cmpi slt, %add3A_72, %lt3A_73 : i32
        %convert_element_type3A_75 = arith.extui %lt3A_74 : i1 to i32
        %cond3A_76 = arith.constant 0 : i32
        %cond3A_77 = arith.cmpi ne, %convert_element_type3A_75, %cond3A_76 : i32
        scf.if %cond3A_77 {
          %mul3A_112 = arith.constant 2048 : i32
          %mul3A_113 = arith.muli %select_n3A_28, %mul3A_112 : i32
          %mul3A_114 = arith.constant 128 : i32
          %mul3A_115 = arith.muli %add3A_72, %mul3A_114 : i32
          %add3A_116 = arith.addi %mul3A_113, %mul3A_115 : i32
          %mul3A_117 = arith.constant 128 : i32
          %mul3A_118 = arith.muli %select_n3A_7, %mul3A_117 : i32
          %dma_start3A_119 = tpu.memref_slice %arg2[%add3A_116, %mul3A_118] : memref<16384x256xf32, #tpu.memory_space<hbm>> -> memref<128x128xf32, #tpu.memory_space<hbm>>
          %dma_start3A_120 = tpu.memref_slice %arg2[%add3A_116, %mul3A_118] : memref<16384x256xf32, #tpu.memory_space<hbm>> -> memref<128x128xf32, #tpu.memory_space<hbm>>
          tpu.enqueue_dma source(%dma_start3A_120 : memref<128x128xf32, #tpu.memory_space<hbm>>) target(%arg10 : memref<128x128xf32, #tpu.memory_space<vmem>>) target_semaphore(%arg14 : memref<!tpu.dma_semaphore, #tpu.memory_space<semaphore_mem>>)
        } else {
        }
        %mul3A_78 = arith.constant 2048 : i32
        %mul3A_79 = arith.muli %select_n3A_28, %mul3A_78 : i32
        %mul3A_80 = arith.constant 128 : i32
        %mul3A_81 = arith.muli %add3A_70, %mul3A_80 : i32
        %add3A_82 = arith.addi %mul3A_79, %mul3A_81 : i32
        %mul3A_83 = arith.constant 128 : i32
        %mul3A_84 = arith.muli %select_n3A_7, %mul3A_83 : i32
        %dma_wait3A = tpu.memref_slice %arg2[%add3A_82, %mul3A_84] : memref<16384x256xf32, #tpu.memory_space<hbm>> -> memref<128x128xf32, #tpu.memory_space<hbm>>
        %dma_wait3A_85 = tpu.memref_slice %arg2[%add3A_82, %mul3A_84] : memref<16384x256xf32, #tpu.memory_space<hbm>> -> memref<128x128xf32, #tpu.memory_space<hbm>>
        tpu.wait_dma2 semaphore(%arg13 : memref<!tpu.dma_semaphore, #tpu.memory_space<semaphore_mem>>) src(%dma_wait3A_85 : memref<128x128xf32, #tpu.memory_space<hbm>>) dst(%arg9 : memref<128x128xf32, #tpu.memory_space<vmem>>)
        %parallel_loop3A_86 = arith.constant 0 : i32
        %parallel_loop3A_87 = arith.constant 128 : i32
        %parallel_loop3A_88 = arith.constant 1 : i32
        scf.for %parallel_loop3A_112 = %parallel_loop3A_86 to %parallel_loop3A_87 step %parallel_loop3A_88  : i32 {
          %parallel_loop3A_113 = arith.constant 128 : i32
          %parallel_loop3A_114 = arith.muli %add3A_70, %parallel_loop3A_113 : i32
          %parallel_loop3A_115 = vector.broadcast %parallel_loop3A_114 : i32 to vector<16xi32>
          %parallel_loop3A_116 = vector.broadcast %parallel_loop3A_112 : i32 to vector<16xi32>
          %parallel_loop3A_117 = arith.addi %parallel_loop3A_115, %parallel_loop3A_116 : vector<16xi32>
          %parallel_loop3A_118 = tpu.vector_load_idx %arg11[%parallel_loop3A_117] : memref<2048xi32, #tpu.memory_space<vmem>>[vector<16xi32>], vector<16xi32>,
          %parallel_loop3A_119 = arith.index_cast %parallel_loop3A_112 : i32 to index
          %parallel_loop3A_120 = arith.constant 0 : index
          %parallel_loop3A_121 = tpu.vector_load %arg9[%parallel_loop3A_119, %parallel_loop3A_120] {strides = array<i32>} : memref<128x128xf32, #tpu.memory_space<vmem>>, vector<16xf32>,
          %parallel_loop3A_122 = arith.constant 0 : i32
          %parallel_loop3A_123 = vector.broadcast %parallel_loop3A_122 : i32 to vector<16xi32>
          %parallel_loop3A_124 = arith.addi %parallel_loop3A_123, %iota3A : vector<16xi32>
          tpu.vector_store_idx %arg8[%parallel_loop3A_118, %parallel_loop3A_124], %parallel_loop3A_121 {add = true} : memref<512x128xf32, #tpu.memory_space<vmem>>[vector<16xi32>, vector<16xi32>], vector<16xf32>,
          %parallel_loop3A_125 = arith.index_cast %parallel_loop3A_112 : i32 to index
          %parallel_loop3A_126 = arith.constant 16 : index
          %parallel_loop3A_127 = tpu.vector_load %arg9[%parallel_loop3A_125, %parallel_loop3A_126] {strides = array<i32>} : memref<128x128xf32, #tpu.memory_space<vmem>>, vector<16xf32>,
          %parallel_loop3A_128 = arith.constant 16 : i32
          %parallel_loop3A_129 = vector.broadcast %parallel_loop3A_128 : i32 to vector<16xi32>
          %parallel_loop3A_130 = arith.addi %parallel_loop3A_129, %iota3A : vector<16xi32>
          tpu.vector_store_idx %arg8[%parallel_loop3A_118, %parallel_loop3A_130], %parallel_loop3A_127 {add = true} : memref<512x128xf32, #tpu.memory_space<vmem>>[vector<16xi32>, vector<16xi32>], vector<16xf32>,
          %parallel_loop3A_131 = arith.index_cast %parallel_loop3A_112 : i32 to index
          %parallel_loop3A_132 = arith.constant 32 : index
          %parallel_loop3A_133 = tpu.vector_load %arg9[%parallel_loop3A_131, %parallel_loop3A_132] {strides = array<i32>} : memref<128x128xf32, #tpu.memory_space<vmem>>, vector<16xf32>,
          %parallel_loop3A_134 = arith.constant 32 : i32
          %parallel_loop3A_135 = vector.broadcast %parallel_loop3A_134 : i32 to vector<16xi32>
          %parallel_loop3A_136 = arith.addi %parallel_loop3A_135, %iota3A : vector<16xi32>
          tpu.vector_store_idx %arg8[%parallel_loop3A_118, %parallel_loop3A_136], %parallel_loop3A_133 {add = true} : memref<512x128xf32, #tpu.memory_space<vmem>>[vector<16xi32>, vector<16xi32>], vector<16xf32>,
          %parallel_loop3A_137 = arith.index_cast %parallel_loop3A_112 : i32 to index
          %parallel_loop3A_138 = arith.constant 48 : index
          %parallel_loop3A_139 = tpu.vector_load %arg9[%parallel_loop3A_137, %parallel_loop3A_138] {strides = array<i32>} : memref<128x128xf32, #tpu.memory_space<vmem>>, vector<16xf32>,
          %parallel_loop3A_140 = arith.constant 48 : i32
          %parallel_loop3A_141 = vector.broadcast %parallel_loop3A_140 : i32 to vector<16xi32>
          %parallel_loop3A_142 = arith.addi %parallel_loop3A_141, %iota3A : vector<16xi32>
          tpu.vector_store_idx %arg8[%parallel_loop3A_118, %parallel_loop3A_142], %parallel_loop3A_139 {add = true} : memref<512x128xf32, #tpu.memory_space<vmem>>[vector<16xi32>, vector<16xi32>], vector<16xf32>,
          %parallel_loop3A_143 = arith.index_cast %parallel_loop3A_112 : i32 to index
          %parallel_loop3A_144 = arith.constant 64 : index
          %parallel_loop3A_145 = tpu.vector_load %arg9[%parallel_loop3A_143, %parallel_loop3A_144] {strides = array<i32>} : memref<128x128xf32, #tpu.memory_space<vmem>>, vector<16xf32>,
          %parallel_loop3A_146 = arith.constant 64 : i32
          %parallel_loop3A_147 = vector.broadcast %parallel_loop3A_146 : i32 to vector<16xi32>
          %parallel_loop3A_148 = arith.addi %parallel_loop3A_147, %iota3A : vector<16xi32>
          tpu.vector_store_idx %arg8[%parallel_loop3A_118, %parallel_loop3A_148], %parallel_loop3A_145 {add = true} : memref<512x128xf32, #tpu.memory_space<vmem>>[vector<16xi32>, vector<16xi32>], vector<16xf32>,
          %parallel_loop3A_149 = arith.index_cast %parallel_loop3A_112 : i32 to index
          %parallel_loop3A_150 = arith.constant 80 : index
          %parallel_loop3A_151 = tpu.vector_load %arg9[%parallel_loop3A_149, %parallel_loop3A_150] {strides = array<i32>} : memref<128x128xf32, #tpu.memory_space<vmem>>, vector<16xf32>,
          %parallel_loop3A_152 = arith.constant 80 : i32
          %parallel_loop3A_153 = vector.broadcast %parallel_loop3A_152 : i32 to vector<16xi32>
          %parallel_loop3A_154 = arith.addi %parallel_loop3A_153, %iota3A : vector<16xi32>
          tpu.vector_store_idx %arg8[%parallel_loop3A_118, %parallel_loop3A_154], %parallel_loop3A_151 {add = true} : memref<512x128xf32, #tpu.memory_space<vmem>>[vector<16xi32>, vector<16xi32>], vector<16xf32>,
          %parallel_loop3A_155 = arith.index_cast %parallel_loop3A_112 : i32 to index
          %parallel_loop3A_156 = arith.constant 96 : index
          %parallel_loop3A_157 = tpu.vector_load %arg9[%parallel_loop3A_155, %parallel_loop3A_156] {strides = array<i32>} : memref<128x128xf32, #tpu.memory_space<vmem>>, vector<16xf32>,
          %parallel_loop3A_158 = arith.constant 96 : i32
          %parallel_loop3A_159 = vector.broadcast %parallel_loop3A_158 : i32 to vector<16xi32>
          %parallel_loop3A_160 = arith.addi %parallel_loop3A_159, %iota3A : vector<16xi32>
          tpu.vector_store_idx %arg8[%parallel_loop3A_118, %parallel_loop3A_160], %parallel_loop3A_157 {add = true} : memref<512x128xf32, #tpu.memory_space<vmem>>[vector<16xi32>, vector<16xi32>], vector<16xf32>,
          %parallel_loop3A_161 = arith.index_cast %parallel_loop3A_112 : i32 to index
          %parallel_loop3A_162 = arith.constant 112 : index
          %parallel_loop3A_163 = tpu.vector_load %arg9[%parallel_loop3A_161, %parallel_loop3A_162] {strides = array<i32>} : memref<128x128xf32, #tpu.memory_space<vmem>>, vector<16xf32>,
          %parallel_loop3A_164 = arith.constant 112 : i32
          %parallel_loop3A_165 = vector.broadcast %parallel_loop3A_164 : i32 to vector<16xi32>
          %parallel_loop3A_166 = arith.addi %parallel_loop3A_165, %iota3A : vector<16xi32>
          tpu.vector_store_idx %arg8[%parallel_loop3A_118, %parallel_loop3A_166], %parallel_loop3A_163 {add = true} : memref<512x128xf32, #tpu.memory_space<vmem>>[vector<16xi32>, vector<16xi32>], vector<16xf32>,
          tpu.vector_store_idx %arg12[%broadcast_in_dim3A_38, %parallel_loop3A_118], %broadcast_in_dim3A_33 masked %lt3A_36 {add = true} : memref<1x512xf32, #tpu.memory_space<vmem>>[vector<16xi32>, vector<16xi32>], vector<16xf32>, vector<16xi1>
        } {sc.loop_unroll_factor = 4 : i64, sc.parallel_access}
        %mul3A_89 = arith.constant 2 : i32
        %mul3A_90 = arith.muli %scan3A_66, %mul3A_89 : i32
        %add3A_91 = arith.constant 1 : i32
        %add3A_92 = arith.addi %mul3A_90, %add3A_91 : i32
        %add3A_93 = arith.constant 1 : i32
        %add3A_94 = arith.addi %add3A_92, %add3A_93 : i32
        %lt3A_95 = arith.constant 16 : i32
        %lt3A_96 = arith.cmpi slt, %add3A_94, %lt3A_95 : i32
        %convert_element_type3A_97 = arith.extui %lt3A_96 : i1 to i32
        %cond3A_98 = arith.constant 0 : i32
        %cond3A_99 = arith.cmpi ne, %convert_element_type3A_97, %cond3A_98 : i32
        scf.if %cond3A_99 {
          %mul3A_112 = arith.constant 2048 : i32
          %mul3A_113 = arith.muli %select_n3A_28, %mul3A_112 : i32
          %mul3A_114 = arith.constant 128 : i32
          %mul3A_115 = arith.muli %add3A_94, %mul3A_114 : i32
          %add3A_116 = arith.addi %mul3A_113, %mul3A_115 : i32
          %mul3A_117 = arith.constant 128 : i32
          %mul3A_118 = arith.muli %select_n3A_7, %mul3A_117 : i32
          %dma_start3A_119 = tpu.memref_slice %arg2[%add3A_116, %mul3A_118] : memref<16384x256xf32, #tpu.memory_space<hbm>> -> memref<128x128xf32, #tpu.memory_space<hbm>>
          %dma_start3A_120 = tpu.memref_slice %arg2[%add3A_116, %mul3A_118] : memref<16384x256xf32, #tpu.memory_space<hbm>> -> memref<128x128xf32, #tpu.memory_space<hbm>>
          tpu.enqueue_dma source(%dma_start3A_120 : memref<128x128xf32, #tpu.memory_space<hbm>>) target(%arg9 : memref<128x128xf32, #tpu.memory_space<vmem>>) target_semaphore(%arg13 : memref<!tpu.dma_semaphore, #tpu.memory_space<semaphore_mem>>)
        } else {
        }
        %mul3A_100 = arith.constant 2048 : i32
        %mul3A_101 = arith.muli %select_n3A_28, %mul3A_100 : i32
        %mul3A_102 = arith.constant 128 : i32
        %mul3A_103 = arith.muli %add3A_92, %mul3A_102 : i32
        %add3A_104 = arith.addi %mul3A_101, %mul3A_103 : i32
        %mul3A_105 = arith.constant 128 : i32
        %mul3A_106 = arith.muli %select_n3A_7, %mul3A_105 : i32
        %dma_wait3A_107 = tpu.memref_slice %arg2[%add3A_104, %mul3A_106] : memref<16384x256xf32, #tpu.memory_space<hbm>> -> memref<128x128xf32, #tpu.memory_space<hbm>>
        %dma_wait3A_108 = tpu.memref_slice %arg2[%add3A_104, %mul3A_106] : memref<16384x256xf32, #tpu.memory_space<hbm>> -> memref<128x128xf32, #tpu.memory_space<hbm>>
        tpu.wait_dma2 semaphore(%arg14 : memref<!tpu.dma_semaphore, #tpu.memory_space<semaphore_mem>>) src(%dma_wait3A_108 : memref<128x128xf32, #tpu.memory_space<hbm>>) dst(%arg10 : memref<128x128xf32, #tpu.memory_space<vmem>>)
        %parallel_loop3A_109 = arith.constant 0 : i32
        %parallel_loop3A_110 = arith.constant 128 : i32
        %parallel_loop3A_111 = arith.constant 1 : i32
        scf.for %parallel_loop3A_112 = %parallel_loop3A_109 to %parallel_loop3A_110 step %parallel_loop3A_111  : i32 {
          %parallel_loop3A_113 = arith.constant 128 : i32
          %parallel_loop3A_114 = arith.muli %add3A_92, %parallel_loop3A_113 : i32
          %parallel_loop3A_115 = vector.broadcast %parallel_loop3A_114 : i32 to vector<16xi32>
          %parallel_loop3A_116 = vector.broadcast %parallel_loop3A_112 : i32 to vector<16xi32>
          %parallel_loop3A_117 = arith.addi %parallel_loop3A_115, %parallel_loop3A_116 : vector<16xi32>
          %parallel_loop3A_118 = tpu.vector_load_idx %arg11[%parallel_loop3A_117] : memref<2048xi32, #tpu.memory_space<vmem>>[vector<16xi32>], vector<16xi32>,
          %parallel_loop3A_119 = arith.index_cast %parallel_loop3A_112 : i32 to index
          %parallel_loop3A_120 = arith.constant 0 : index
          %parallel_loop3A_121 = tpu.vector_load %arg10[%parallel_loop3A_119, %parallel_loop3A_120] {strides = array<i32>} : memref<128x128xf32, #tpu.memory_space<vmem>>, vector<16xf32>,
          %parallel_loop3A_122 = arith.constant 0 : i32
          %parallel_loop3A_123 = vector.broadcast %parallel_loop3A_122 : i32 to vector<16xi32>
          %parallel_loop3A_124 = arith.addi %parallel_loop3A_123, %iota3A : vector<16xi32>
          tpu.vector_store_idx %arg8[%parallel_loop3A_118, %parallel_loop3A_124], %parallel_loop3A_121 {add = true} : memref<512x128xf32, #tpu.memory_space<vmem>>[vector<16xi32>, vector<16xi32>], vector<16xf32>,
          %parallel_loop3A_125 = arith.index_cast %parallel_loop3A_112 : i32 to index
          %parallel_loop3A_126 = arith.constant 16 : index
          %parallel_loop3A_127 = tpu.vector_load %arg10[%parallel_loop3A_125, %parallel_loop3A_126] {strides = array<i32>} : memref<128x128xf32, #tpu.memory_space<vmem>>, vector<16xf32>,
          %parallel_loop3A_128 = arith.constant 16 : i32
          %parallel_loop3A_129 = vector.broadcast %parallel_loop3A_128 : i32 to vector<16xi32>
          %parallel_loop3A_130 = arith.addi %parallel_loop3A_129, %iota3A : vector<16xi32>
          tpu.vector_store_idx %arg8[%parallel_loop3A_118, %parallel_loop3A_130], %parallel_loop3A_127 {add = true} : memref<512x128xf32, #tpu.memory_space<vmem>>[vector<16xi32>, vector<16xi32>], vector<16xf32>,
          %parallel_loop3A_131 = arith.index_cast %parallel_loop3A_112 : i32 to index
          %parallel_loop3A_132 = arith.constant 32 : index
          %parallel_loop3A_133 = tpu.vector_load %arg10[%parallel_loop3A_131, %parallel_loop3A_132] {strides = array<i32>} : memref<128x128xf32, #tpu.memory_space<vmem>>, vector<16xf32>,
          %parallel_loop3A_134 = arith.constant 32 : i32
          %parallel_loop3A_135 = vector.broadcast %parallel_loop3A_134 : i32 to vector<16xi32>
          %parallel_loop3A_136 = arith.addi %parallel_loop3A_135, %iota3A : vector<16xi32>
          tpu.vector_store_idx %arg8[%parallel_loop3A_118, %parallel_loop3A_136], %parallel_loop3A_133 {add = true} : memref<512x128xf32, #tpu.memory_space<vmem>>[vector<16xi32>, vector<16xi32>], vector<16xf32>,
          %parallel_loop3A_137 = arith.index_cast %parallel_loop3A_112 : i32 to index
          %parallel_loop3A_138 = arith.constant 48 : index
          %parallel_loop3A_139 = tpu.vector_load %arg10[%parallel_loop3A_137, %parallel_loop3A_138] {strides = array<i32>} : memref<128x128xf32, #tpu.memory_space<vmem>>, vector<16xf32>,
          %parallel_loop3A_140 = arith.constant 48 : i32
          %parallel_loop3A_141 = vector.broadcast %parallel_loop3A_140 : i32 to vector<16xi32>
          %parallel_loop3A_142 = arith.addi %parallel_loop3A_141, %iota3A : vector<16xi32>
          tpu.vector_store_idx %arg8[%parallel_loop3A_118, %parallel_loop3A_142], %parallel_loop3A_139 {add = true} : memref<512x128xf32, #tpu.memory_space<vmem>>[vector<16xi32>, vector<16xi32>], vector<16xf32>,
          %parallel_loop3A_143 = arith.index_cast %parallel_loop3A_112 : i32 to index
          %parallel_loop3A_144 = arith.constant 64 : index
          %parallel_loop3A_145 = tpu.vector_load %arg10[%parallel_loop3A_143, %parallel_loop3A_144] {strides = array<i32>} : memref<128x128xf32, #tpu.memory_space<vmem>>, vector<16xf32>,
          %parallel_loop3A_146 = arith.constant 64 : i32
          %parallel_loop3A_147 = vector.broadcast %parallel_loop3A_146 : i32 to vector<16xi32>
          %parallel_loop3A_148 = arith.addi %parallel_loop3A_147, %iota3A : vector<16xi32>
          tpu.vector_store_idx %arg8[%parallel_loop3A_118, %parallel_loop3A_148], %parallel_loop3A_145 {add = true} : memref<512x128xf32, #tpu.memory_space<vmem>>[vector<16xi32>, vector<16xi32>], vector<16xf32>,
          %parallel_loop3A_149 = arith.index_cast %parallel_loop3A_112 : i32 to index
          %parallel_loop3A_150 = arith.constant 80 : index
          %parallel_loop3A_151 = tpu.vector_load %arg10[%parallel_loop3A_149, %parallel_loop3A_150] {strides = array<i32>} : memref<128x128xf32, #tpu.memory_space<vmem>>, vector<16xf32>,
          %parallel_loop3A_152 = arith.constant 80 : i32
          %parallel_loop3A_153 = vector.broadcast %parallel_loop3A_152 : i32 to vector<16xi32>
          %parallel_loop3A_154 = arith.addi %parallel_loop3A_153, %iota3A : vector<16xi32>
          tpu.vector_store_idx %arg8[%parallel_loop3A_118, %parallel_loop3A_154], %parallel_loop3A_151 {add = true} : memref<512x128xf32, #tpu.memory_space<vmem>>[vector<16xi32>, vector<16xi32>], vector<16xf32>,
          %parallel_loop3A_155 = arith.index_cast %parallel_loop3A_112 : i32 to index
          %parallel_loop3A_156 = arith.constant 96 : index
          %parallel_loop3A_157 = tpu.vector_load %arg10[%parallel_loop3A_155, %parallel_loop3A_156] {strides = array<i32>} : memref<128x128xf32, #tpu.memory_space<vmem>>, vector<16xf32>,
          %parallel_loop3A_158 = arith.constant 96 : i32
          %parallel_loop3A_159 = vector.broadcast %parallel_loop3A_158 : i32 to vector<16xi32>
          %parallel_loop3A_160 = arith.addi %parallel_loop3A_159, %iota3A : vector<16xi32>
          tpu.vector_store_idx %arg8[%parallel_loop3A_118, %parallel_loop3A_160], %parallel_loop3A_157 {add = true} : memref<512x128xf32, #tpu.memory_space<vmem>>[vector<16xi32>, vector<16xi32>], vector<16xf32>,
          %parallel_loop3A_161 = arith.index_cast %parallel_loop3A_112 : i32 to index
          %parallel_loop3A_162 = arith.constant 112 : index
          %parallel_loop3A_163 = tpu.vector_load %arg10[%parallel_loop3A_161, %parallel_loop3A_162] {strides = array<i32>} : memref<128x128xf32, #tpu.memory_space<vmem>>, vector<16xf32>,
          %parallel_loop3A_164 = arith.constant 112 : i32
          %parallel_loop3A_165 = vector.broadcast %parallel_loop3A_164 : i32 to vector<16xi32>
          %parallel_loop3A_166 = arith.addi %parallel_loop3A_165, %iota3A : vector<16xi32>
          tpu.vector_store_idx %arg8[%parallel_loop3A_118, %parallel_loop3A_166], %parallel_loop3A_163 {add = true} : memref<512x128xf32, #tpu.memory_space<vmem>>[vector<16xi32>, vector<16xi32>], vector<16xf32>,
          tpu.vector_store_idx %arg12[%broadcast_in_dim3A_38, %parallel_loop3A_118], %broadcast_in_dim3A_33 masked %lt3A_36 {add = true} : memref<1x512xf32, #tpu.memory_space<vmem>>[vector<16xi32>, vector<16xi32>], vector<16xf32>, vector<16xi1>
        } {sc.loop_unroll_factor = 4 : i64, sc.parallel_access}
      }
      %scan3A_65 = arith.constant 8 : i32
      "tpu.region"() ({
        %run_scoped3A = tpu.sem_alloc : memref<!tpu.dma_semaphore, #tpu.memory_space<semaphore_mem>>
        %dma_start3A_66 = arith.constant 0 : i32
        %dma_start3A_67 = arith.constant 0 : i32
        %dma_start3A_68 = tpu.memref_slice %arg6[%add3A_30, %dma_start3A_66, %dma_start3A_67] : memref<32x512x128xf32, #tpu.memory_space<hbm>> -> memref<1x512x128xf32, #tpu.memory_space<hbm>>
        %dma_start3A_69 = tpu.memref_squeeze %dma_start3A_68 : memref<1x512x128xf32, #tpu.memory_space<hbm>> -> memref<512x128xf32, #tpu.memory_space<hbm>>
        %dma_start3A_70 = arith.constant 0 : i32
        %dma_start3A_71 = arith.constant 0 : i32
        %dma_start3A_72 = tpu.memref_slice %arg6[%add3A_30, %dma_start3A_70, %dma_start3A_71] : memref<32x512x128xf32, #tpu.memory_space<hbm>> -> memref<1x512x128xf32, #tpu.memory_space<hbm>>
        %dma_start3A_73 = tpu.memref_squeeze %dma_start3A_72 : memref<1x512x128xf32, #tpu.memory_space<hbm>> -> memref<512x128xf32, #tpu.memory_space<hbm>>
        tpu.enqueue_dma source(%arg8 : memref<512x128xf32, #tpu.memory_space<vmem>>) target(%dma_start3A_73 : memref<512x128xf32, #tpu.memory_space<hbm>>) target_semaphore(%run_scoped3A : memref<!tpu.dma_semaphore, #tpu.memory_space<semaphore_mem>>)
        %dma_wait3A = arith.constant 0 : i32
        %dma_wait3A_74 = arith.constant 0 : i32
        %dma_wait3A_75 = tpu.memref_slice %arg6[%add3A_30, %dma_wait3A, %dma_wait3A_74] : memref<32x512x128xf32, #tpu.memory_space<hbm>> -> memref<1x512x128xf32, #tpu.memory_space<hbm>>
        %dma_wait3A_76 = tpu.memref_squeeze %dma_wait3A_75 : memref<1x512x128xf32, #tpu.memory_space<hbm>> -> memref<512x128xf32, #tpu.memory_space<hbm>>
        %dma_wait3A_77 = arith.constant 0 : i32
        %dma_wait3A_78 = arith.constant 0 : i32
        %dma_wait3A_79 = tpu.memref_slice %arg6[%add3A_30, %dma_wait3A_77, %dma_wait3A_78] : memref<32x512x128xf32, #tpu.memory_space<hbm>> -> memref<1x512x128xf32, #tpu.memory_space<hbm>>
        %dma_wait3A_80 = tpu.memref_squeeze %dma_wait3A_79 : memref<1x512x128xf32, #tpu.memory_space<hbm>> -> memref<512x128xf32, #tpu.memory_space<hbm>>
        tpu.wait_dma2 semaphore(%run_scoped3A : memref<!tpu.dma_semaphore, #tpu.memory_space<semaphore_mem>>) src(%arg8 : memref<512x128xf32, #tpu.memory_space<vmem>>) dst(%dma_wait3A_80 : memref<512x128xf32, #tpu.memory_space<hbm>>)
        tpu.yield
      }) : () -> ()
      "tpu.region"() ({
        %run_scoped3A = tpu.sem_alloc : memref<!tpu.dma_semaphore, #tpu.memory_space<semaphore_mem>>
        %dma_start3A_66 = arith.constant 0 : i32
        %dma_start3A_67 = arith.constant 0 : i32
        %dma_start3A_68 = tpu.memref_slice %arg7[%add3A_30, %dma_start3A_66, %dma_start3A_67] : memref<32x1x512xf32, #tpu.memory_space<hbm>> -> memref<1x1x512xf32, #tpu.memory_space<hbm>>
        %dma_start3A_69 = tpu.memref_squeeze %dma_start3A_68 : memref<1x1x512xf32, #tpu.memory_space<hbm>> -> memref<1x512xf32, #tpu.memory_space<hbm>>
        %dma_start3A_70 = arith.constant 0 : i32
        %dma_start3A_71 = arith.constant 0 : i32
        %dma_start3A_72 = tpu.memref_slice %arg7[%add3A_30, %dma_start3A_70, %dma_start3A_71] : memref<32x1x512xf32, #tpu.memory_space<hbm>> -> memref<1x1x512xf32, #tpu.memory_space<hbm>>
        %dma_start3A_73 = tpu.memref_squeeze %dma_start3A_72 : memref<1x1x512xf32, #tpu.memory_space<hbm>> -> memref<1x512xf32, #tpu.memory_space<hbm>>
        tpu.enqueue_dma source(%arg12 : memref<1x512xf32, #tpu.memory_space<vmem>>) target(%dma_start3A_73 : memref<1x512xf32, #tpu.memory_space<hbm>>) target_semaphore(%run_scoped3A : memref<!tpu.dma_semaphore, #tpu.memory_space<semaphore_mem>>)
        %dma_wait3A = arith.constant 0 : i32
        %dma_wait3A_74 = arith.constant 0 : i32
        %dma_wait3A_75 = tpu.memref_slice %arg7[%add3A_30, %dma_wait3A, %dma_wait3A_74] : memref<32x1x512xf32, #tpu.memory_space<hbm>> -> memref<1x1x512xf32, #tpu.memory_space<hbm>>
        %dma_wait3A_76 = tpu.memref_squeeze %dma_wait3A_75 : memref<1x1x512xf32, #tpu.memory_space<hbm>> -> memref<1x512xf32, #tpu.memory_space<hbm>>
        %dma_wait3A_77 = arith.constant 0 : i32
        %dma_wait3A_78 = arith.constant 0 : i32
        %dma_wait3A_79 = tpu.memref_slice %arg7[%add3A_30, %dma_wait3A_77, %dma_wait3A_78] : memref<32x1x512xf32, #tpu.memory_space<hbm>> -> memref<1x1x512xf32, #tpu.memory_space<hbm>>
        %dma_wait3A_80 = tpu.memref_squeeze %dma_wait3A_79 : memref<1x1x512xf32, #tpu.memory_space<hbm>> -> memref<1x512xf32, #tpu.memory_space<hbm>>
        tpu.wait_dma2 semaphore(%run_scoped3A : memref<!tpu.dma_semaphore, #tpu.memory_space<semaphore_mem>>) src(%arg12 : memref<1x512xf32, #tpu.memory_space<vmem>>) dst(%dma_wait3A_80 : memref<1x512xf32, #tpu.memory_space<hbm>>)
        tpu.yield
      }) : () -> ()
    } else {
    }
    %eq3A_47 = arith.constant 1 : i32
    %eq3A_48 = arith.cmpi eq, %arg0, %eq3A_47 : i32
    %convert_element_type3A_49 = arith.extui %eq3A_48 : i1 to i32
    %cond3A_50 = arith.constant 0 : i32
    %cond3A_51 = arith.cmpi ne, %convert_element_type3A_49, %cond3A_50 : i32
    scf.if %cond3A_51 {
      %mul3A_52 = arith.constant 2048 : i32
      %mul3A_53 = arith.muli %select_n3A_28, %mul3A_52 : i32
      "tpu.region"() ({
        %run_scoped3A = tpu.sem_alloc : memref<!tpu.dma_semaphore, #tpu.memory_space<semaphore_mem>>
        %dma_start3A_66 = tpu.memref_slice %arg5[%mul3A_53] : memref<16384xi32, #tpu.memory_space<hbm>> -> memref<2048xi32, #tpu.memory_space<hbm>>
        %dma_start3A_67 = tpu.memref_slice %arg5[%mul3A_53] : memref<16384xi32, #tpu.memory_space<hbm>> -> memref<2048xi32, #tpu.memory_space<hbm>>
        tpu.enqueue_dma source(%dma_start3A_67 : memref<2048xi32, #tpu.memory_space<hbm>>) target(%arg11 : memref<2048xi32, #tpu.memory_space<vmem>>) target_semaphore(%run_scoped3A : memref<!tpu.dma_semaphore, #tpu.memory_space<semaphore_mem>>)
        %dma_wait3A = tpu.memref_slice %arg5[%mul3A_53] : memref<16384xi32, #tpu.memory_space<hbm>> -> memref<2048xi32, #tpu.memory_space<hbm>>
        %dma_wait3A_68 = tpu.memref_slice %arg5[%mul3A_53] : memref<16384xi32, #tpu.memory_space<hbm>> -> memref<2048xi32, #tpu.memory_space<hbm>>
        tpu.wait_dma2 semaphore(%run_scoped3A : memref<!tpu.dma_semaphore, #tpu.memory_space<semaphore_mem>>) src(%dma_wait3A_68 : memref<2048xi32, #tpu.memory_space<hbm>>) dst(%arg11 : memref<2048xi32, #tpu.memory_space<vmem>>)
        tpu.yield
      }) : () -> ()
      %mul3A_54 = arith.constant 2048 : i32
      %mul3A_55 = arith.muli %select_n3A_28, %mul3A_54 : i32
      %add3A_56 = arith.constant 0 : i32
      %add3A_57 = arith.addi %mul3A_55, %add3A_56 : i32
      %mul3A_58 = arith.constant 128 : i32
      %mul3A_59 = arith.muli %select_n3A_7, %mul3A_58 : i32
      %dma_start3A = tpu.memref_slice %arg4[%add3A_57, %mul3A_59] : memref<16384x256xf32, #tpu.memory_space<hbm>> -> memref<128x128xf32, #tpu.memory_space<hbm>>
      %dma_start3A_60 = tpu.memref_slice %arg4[%add3A_57, %mul3A_59] : memref<16384x256xf32, #tpu.memory_space<hbm>> -> memref<128x128xf32, #tpu.memory_space<hbm>>
      tpu.enqueue_dma source(%dma_start3A_60 : memref<128x128xf32, #tpu.memory_space<hbm>>) target(%arg9 : memref<128x128xf32, #tpu.memory_space<vmem>>) target_semaphore(%arg13 : memref<!tpu.dma_semaphore, #tpu.memory_space<semaphore_mem>>)
      %scan3A = arith.constant 0 : i32
      %scan3A_61 = arith.constant 0 : i32
      %scan3A_62 = arith.constant 8 : i32
      %scan3A_63 = arith.addi %scan3A_61, %scan3A_62 : i32
      %scan3A_64 = arith.constant 1 : i32
      scf.for %scan3A_66 = %scan3A_61 to %scan3A_63 step %scan3A_64  : i32 {
        %mul3A_67 = arith.constant 2 : i32
        %mul3A_68 = arith.muli %scan3A_66, %mul3A_67 : i32
        %add3A_69 = arith.constant 0 : i32
        %add3A_70 = arith.addi %mul3A_68, %add3A_69 : i32
        %add3A_71 = arith.constant 1 : i32
        %add3A_72 = arith.addi %add3A_70, %add3A_71 : i32
        %lt3A_73 = arith.constant 16 : i32
        %lt3A_74 = arith.cmpi slt, %add3A_72, %lt3A_73 : i32
        %convert_element_type3A_75 = arith.extui %lt3A_74 : i1 to i32
        %cond3A_76 = arith.constant 0 : i32
        %cond3A_77 = arith.cmpi ne, %convert_element_type3A_75, %cond3A_76 : i32
        scf.if %cond3A_77 {
          %mul3A_112 = arith.constant 2048 : i32
          %mul3A_113 = arith.muli %select_n3A_28, %mul3A_112 : i32
          %mul3A_114 = arith.constant 128 : i32
          %mul3A_115 = arith.muli %add3A_72, %mul3A_114 : i32
          %add3A_116 = arith.addi %mul3A_113, %mul3A_115 : i32
          %mul3A_117 = arith.constant 128 : i32
          %mul3A_118 = arith.muli %select_n3A_7, %mul3A_117 : i32
          %dma_start3A_119 = tpu.memref_slice %arg4[%add3A_116, %mul3A_118] : memref<16384x256xf32, #tpu.memory_space<hbm>> -> memref<128x128xf32, #tpu.memory_space<hbm>>
          %dma_start3A_120 = tpu.memref_slice %arg4[%add3A_116, %mul3A_118] : memref<16384x256xf32, #tpu.memory_space<hbm>> -> memref<128x128xf32, #tpu.memory_space<hbm>>
          tpu.enqueue_dma source(%dma_start3A_120 : memref<128x128xf32, #tpu.memory_space<hbm>>) target(%arg10 : memref<128x128xf32, #tpu.memory_space<vmem>>) target_semaphore(%arg14 : memref<!tpu.dma_semaphore, #tpu.memory_space<semaphore_mem>>)
        } else {
        }
        %mul3A_78 = arith.constant 2048 : i32
        %mul3A_79 = arith.muli %select_n3A_28, %mul3A_78 : i32
        %mul3A_80 = arith.constant 128 : i32
        %mul3A_81 = arith.muli %add3A_70, %mul3A_80 : i32
        %add3A_82 = arith.addi %mul3A_79, %mul3A_81 : i32
        %mul3A_83 = arith.constant 128 : i32
        %mul3A_84 = arith.muli %select_n3A_7, %mul3A_83 : i32
        %dma_wait3A = tpu.memref_slice %arg4[%add3A_82, %mul3A_84] : memref<16384x256xf32, #tpu.memory_space<hbm>> -> memref<128x128xf32, #tpu.memory_space<hbm>>
        %dma_wait3A_85 = tpu.memref_slice %arg4[%add3A_82, %mul3A_84] : memref<16384x256xf32, #tpu.memory_space<hbm>> -> memref<128x128xf32, #tpu.memory_space<hbm>>
        tpu.wait_dma2 semaphore(%arg13 : memref<!tpu.dma_semaphore, #tpu.memory_space<semaphore_mem>>) src(%dma_wait3A_85 : memref<128x128xf32, #tpu.memory_space<hbm>>) dst(%arg9 : memref<128x128xf32, #tpu.memory_space<vmem>>)
        %parallel_loop3A_86 = arith.constant 0 : i32
        %parallel_loop3A_87 = arith.constant 128 : i32
        %parallel_loop3A_88 = arith.constant 1 : i32
        scf.for %parallel_loop3A_112 = %parallel_loop3A_86 to %parallel_loop3A_87 step %parallel_loop3A_88  : i32 {
          %parallel_loop3A_113 = arith.constant 128 : i32
          %parallel_loop3A_114 = arith.muli %add3A_70, %parallel_loop3A_113 : i32
          %parallel_loop3A_115 = vector.broadcast %parallel_loop3A_114 : i32 to vector<16xi32>
          %parallel_loop3A_116 = vector.broadcast %parallel_loop3A_112 : i32 to vector<16xi32>
          %parallel_loop3A_117 = arith.addi %parallel_loop3A_115, %parallel_loop3A_116 : vector<16xi32>
          %parallel_loop3A_118 = tpu.vector_load_idx %arg11[%parallel_loop3A_117] : memref<2048xi32, #tpu.memory_space<vmem>>[vector<16xi32>], vector<16xi32>,
          %parallel_loop3A_119 = arith.index_cast %parallel_loop3A_112 : i32 to index
          %parallel_loop3A_120 = arith.constant 0 : index
          %parallel_loop3A_121 = tpu.vector_load %arg9[%parallel_loop3A_119, %parallel_loop3A_120] {strides = array<i32>} : memref<128x128xf32, #tpu.memory_space<vmem>>, vector<16xf32>,
          %parallel_loop3A_122 = arith.constant 0 : i32
          %parallel_loop3A_123 = vector.broadcast %parallel_loop3A_122 : i32 to vector<16xi32>
          %parallel_loop3A_124 = arith.addi %parallel_loop3A_123, %iota3A : vector<16xi32>
          tpu.vector_store_idx %arg8[%parallel_loop3A_118, %parallel_loop3A_124], %parallel_loop3A_121 {add = true} : memref<512x128xf32, #tpu.memory_space<vmem>>[vector<16xi32>, vector<16xi32>], vector<16xf32>,
          %parallel_loop3A_125 = arith.index_cast %parallel_loop3A_112 : i32 to index
          %parallel_loop3A_126 = arith.constant 16 : index
          %parallel_loop3A_127 = tpu.vector_load %arg9[%parallel_loop3A_125, %parallel_loop3A_126] {strides = array<i32>} : memref<128x128xf32, #tpu.memory_space<vmem>>, vector<16xf32>,
          %parallel_loop3A_128 = arith.constant 16 : i32
          %parallel_loop3A_129 = vector.broadcast %parallel_loop3A_128 : i32 to vector<16xi32>
          %parallel_loop3A_130 = arith.addi %parallel_loop3A_129, %iota3A : vector<16xi32>
          tpu.vector_store_idx %arg8[%parallel_loop3A_118, %parallel_loop3A_130], %parallel_loop3A_127 {add = true} : memref<512x128xf32, #tpu.memory_space<vmem>>[vector<16xi32>, vector<16xi32>], vector<16xf32>,
          %parallel_loop3A_131 = arith.index_cast %parallel_loop3A_112 : i32 to index
          %parallel_loop3A_132 = arith.constant 32 : index
          %parallel_loop3A_133 = tpu.vector_load %arg9[%parallel_loop3A_131, %parallel_loop3A_132] {strides = array<i32>} : memref<128x128xf32, #tpu.memory_space<vmem>>, vector<16xf32>,
          %parallel_loop3A_134 = arith.constant 32 : i32
          %parallel_loop3A_135 = vector.broadcast %parallel_loop3A_134 : i32 to vector<16xi32>
          %parallel_loop3A_136 = arith.addi %parallel_loop3A_135, %iota3A : vector<16xi32>
          tpu.vector_store_idx %arg8[%parallel_loop3A_118, %parallel_loop3A_136], %parallel_loop3A_133 {add = true} : memref<512x128xf32, #tpu.memory_space<vmem>>[vector<16xi32>, vector<16xi32>], vector<16xf32>,
          %parallel_loop3A_137 = arith.index_cast %parallel_loop3A_112 : i32 to index
          %parallel_loop3A_138 = arith.constant 48 : index
          %parallel_loop3A_139 = tpu.vector_load %arg9[%parallel_loop3A_137, %parallel_loop3A_138] {strides = array<i32>} : memref<128x128xf32, #tpu.memory_space<vmem>>, vector<16xf32>,
          %parallel_loop3A_140 = arith.constant 48 : i32
          %parallel_loop3A_141 = vector.broadcast %parallel_loop3A_140 : i32 to vector<16xi32>
          %parallel_loop3A_142 = arith.addi %parallel_loop3A_141, %iota3A : vector<16xi32>
          tpu.vector_store_idx %arg8[%parallel_loop3A_118, %parallel_loop3A_142], %parallel_loop3A_139 {add = true} : memref<512x128xf32, #tpu.memory_space<vmem>>[vector<16xi32>, vector<16xi32>], vector<16xf32>,
          %parallel_loop3A_143 = arith.index_cast %parallel_loop3A_112 : i32 to index
          %parallel_loop3A_144 = arith.constant 64 : index
          %parallel_loop3A_145 = tpu.vector_load %arg9[%parallel_loop3A_143, %parallel_loop3A_144] {strides = array<i32>} : memref<128x128xf32, #tpu.memory_space<vmem>>, vector<16xf32>,
          %parallel_loop3A_146 = arith.constant 64 : i32
          %parallel_loop3A_147 = vector.broadcast %parallel_loop3A_146 : i32 to vector<16xi32>
          %parallel_loop3A_148 = arith.addi %parallel_loop3A_147, %iota3A : vector<16xi32>
          tpu.vector_store_idx %arg8[%parallel_loop3A_118, %parallel_loop3A_148], %parallel_loop3A_145 {add = true} : memref<512x128xf32, #tpu.memory_space<vmem>>[vector<16xi32>, vector<16xi32>], vector<16xf32>,
          %parallel_loop3A_149 = arith.index_cast %parallel_loop3A_112 : i32 to index
          %parallel_loop3A_150 = arith.constant 80 : index
          %parallel_loop3A_151 = tpu.vector_load %arg9[%parallel_loop3A_149, %parallel_loop3A_150] {strides = array<i32>} : memref<128x128xf32, #tpu.memory_space<vmem>>, vector<16xf32>,
          %parallel_loop3A_152 = arith.constant 80 : i32
          %parallel_loop3A_153 = vector.broadcast %parallel_loop3A_152 : i32 to vector<16xi32>
          %parallel_loop3A_154 = arith.addi %parallel_loop3A_153, %iota3A : vector<16xi32>
          tpu.vector_store_idx %arg8[%parallel_loop3A_118, %parallel_loop3A_154], %parallel_loop3A_151 {add = true} : memref<512x128xf32, #tpu.memory_space<vmem>>[vector<16xi32>, vector<16xi32>], vector<16xf32>,
          %parallel_loop3A_155 = arith.index_cast %parallel_loop3A_112 : i32 to index
          %parallel_loop3A_156 = arith.constant 96 : index
          %parallel_loop3A_157 = tpu.vector_load %arg9[%parallel_loop3A_155, %parallel_loop3A_156] {strides = array<i32>} : memref<128x128xf32, #tpu.memory_space<vmem>>, vector<16xf32>,
          %parallel_loop3A_158 = arith.constant 96 : i32
          %parallel_loop3A_159 = vector.broadcast %parallel_loop3A_158 : i32 to vector<16xi32>
          %parallel_loop3A_160 = arith.addi %parallel_loop3A_159, %iota3A : vector<16xi32>
          tpu.vector_store_idx %arg8[%parallel_loop3A_118, %parallel_loop3A_160], %parallel_loop3A_157 {add = true} : memref<512x128xf32, #tpu.memory_space<vmem>>[vector<16xi32>, vector<16xi32>], vector<16xf32>,
          %parallel_loop3A_161 = arith.index_cast %parallel_loop3A_112 : i32 to index
          %parallel_loop3A_162 = arith.constant 112 : index
          %parallel_loop3A_163 = tpu.vector_load %arg9[%parallel_loop3A_161, %parallel_loop3A_162] {strides = array<i32>} : memref<128x128xf32, #tpu.memory_space<vmem>>, vector<16xf32>,
          %parallel_loop3A_164 = arith.constant 112 : i32
          %parallel_loop3A_165 = vector.broadcast %parallel_loop3A_164 : i32 to vector<16xi32>
          %parallel_loop3A_166 = arith.addi %parallel_loop3A_165, %iota3A : vector<16xi32>
          tpu.vector_store_idx %arg8[%parallel_loop3A_118, %parallel_loop3A_166], %parallel_loop3A_163 {add = true} : memref<512x128xf32, #tpu.memory_space<vmem>>[vector<16xi32>, vector<16xi32>], vector<16xf32>,
          tpu.vector_store_idx %arg12[%broadcast_in_dim3A_38, %parallel_loop3A_118], %broadcast_in_dim3A_33 masked %lt3A_36 {add = true} : memref<1x512xf32, #tpu.memory_space<vmem>>[vector<16xi32>, vector<16xi32>], vector<16xf32>, vector<16xi1>
        } {sc.loop_unroll_factor = 4 : i64, sc.parallel_access}
        %mul3A_89 = arith.constant 2 : i32
        %mul3A_90 = arith.muli %scan3A_66, %mul3A_89 : i32
        %add3A_91 = arith.constant 1 : i32
        %add3A_92 = arith.addi %mul3A_90, %add3A_91 : i32
        %add3A_93 = arith.constant 1 : i32
        %add3A_94 = arith.addi %add3A_92, %add3A_93 : i32
        %lt3A_95 = arith.constant 16 : i32
        %lt3A_96 = arith.cmpi slt, %add3A_94, %lt3A_95 : i32
        %convert_element_type3A_97 = arith.extui %lt3A_96 : i1 to i32
        %cond3A_98 = arith.constant 0 : i32
        %cond3A_99 = arith.cmpi ne, %convert_element_type3A_97, %cond3A_98 : i32
        scf.if %cond3A_99 {
          %mul3A_112 = arith.constant 2048 : i32
          %mul3A_113 = arith.muli %select_n3A_28, %mul3A_112 : i32
          %mul3A_114 = arith.constant 128 : i32
          %mul3A_115 = arith.muli %add3A_94, %mul3A_114 : i32
          %add3A_116 = arith.addi %mul3A_113, %mul3A_115 : i32
          %mul3A_117 = arith.constant 128 : i32
          %mul3A_118 = arith.muli %select_n3A_7, %mul3A_117 : i32
          %dma_start3A_119 = tpu.memref_slice %arg4[%add3A_116, %mul3A_118] : memref<16384x256xf32, #tpu.memory_space<hbm>> -> memref<128x128xf32, #tpu.memory_space<hbm>>
          %dma_start3A_120 = tpu.memref_slice %arg4[%add3A_116, %mul3A_118] : memref<16384x256xf32, #tpu.memory_space<hbm>> -> memref<128x128xf32, #tpu.memory_space<hbm>>
          tpu.enqueue_dma source(%dma_start3A_120 : memref<128x128xf32, #tpu.memory_space<hbm>>) target(%arg9 : memref<128x128xf32, #tpu.memory_space<vmem>>) target_semaphore(%arg13 : memref<!tpu.dma_semaphore, #tpu.memory_space<semaphore_mem>>)
        } else {
        }
        %mul3A_100 = arith.constant 2048 : i32
        %mul3A_101 = arith.muli %select_n3A_28, %mul3A_100 : i32
        %mul3A_102 = arith.constant 128 : i32
        %mul3A_103 = arith.muli %add3A_92, %mul3A_102 : i32
        %add3A_104 = arith.addi %mul3A_101, %mul3A_103 : i32
        %mul3A_105 = arith.constant 128 : i32
        %mul3A_106 = arith.muli %select_n3A_7, %mul3A_105 : i32
        %dma_wait3A_107 = tpu.memref_slice %arg4[%add3A_104, %mul3A_106] : memref<16384x256xf32, #tpu.memory_space<hbm>> -> memref<128x128xf32, #tpu.memory_space<hbm>>
        %dma_wait3A_108 = tpu.memref_slice %arg4[%add3A_104, %mul3A_106] : memref<16384x256xf32, #tpu.memory_space<hbm>> -> memref<128x128xf32, #tpu.memory_space<hbm>>
        tpu.wait_dma2 semaphore(%arg14 : memref<!tpu.dma_semaphore, #tpu.memory_space<semaphore_mem>>) src(%dma_wait3A_108 : memref<128x128xf32, #tpu.memory_space<hbm>>) dst(%arg10 : memref<128x128xf32, #tpu.memory_space<vmem>>)
        %parallel_loop3A_109 = arith.constant 0 : i32
        %parallel_loop3A_110 = arith.constant 128 : i32
        %parallel_loop3A_111 = arith.constant 1 : i32
        scf.for %parallel_loop3A_112 = %parallel_loop3A_109 to %parallel_loop3A_110 step %parallel_loop3A_111  : i32 {
          %parallel_loop3A_113 = arith.constant 128 : i32
          %parallel_loop3A_114 = arith.muli %add3A_92, %parallel_loop3A_113 : i32
          %parallel_loop3A_115 = vector.broadcast %parallel_loop3A_114 : i32 to vector<16xi32>
          %parallel_loop3A_116 = vector.broadcast %parallel_loop3A_112 : i32 to vector<16xi32>
          %parallel_loop3A_117 = arith.addi %parallel_loop3A_115, %parallel_loop3A_116 : vector<16xi32>
          %parallel_loop3A_118 = tpu.vector_load_idx %arg11[%parallel_loop3A_117] : memref<2048xi32, #tpu.memory_space<vmem>>[vector<16xi32>], vector<16xi32>,
          %parallel_loop3A_119 = arith.index_cast %parallel_loop3A_112 : i32 to index
          %parallel_loop3A_120 = arith.constant 0 : index
          %parallel_loop3A_121 = tpu.vector_load %arg10[%parallel_loop3A_119, %parallel_loop3A_120] {strides = array<i32>} : memref<128x128xf32, #tpu.memory_space<vmem>>, vector<16xf32>,
          %parallel_loop3A_122 = arith.constant 0 : i32
          %parallel_loop3A_123 = vector.broadcast %parallel_loop3A_122 : i32 to vector<16xi32>
          %parallel_loop3A_124 = arith.addi %parallel_loop3A_123, %iota3A : vector<16xi32>
          tpu.vector_store_idx %arg8[%parallel_loop3A_118, %parallel_loop3A_124], %parallel_loop3A_121 {add = true} : memref<512x128xf32, #tpu.memory_space<vmem>>[vector<16xi32>, vector<16xi32>], vector<16xf32>,
          %parallel_loop3A_125 = arith.index_cast %parallel_loop3A_112 : i32 to index
          %parallel_loop3A_126 = arith.constant 16 : index
          %parallel_loop3A_127 = tpu.vector_load %arg10[%parallel_loop3A_125, %parallel_loop3A_126] {strides = array<i32>} : memref<128x128xf32, #tpu.memory_space<vmem>>, vector<16xf32>,
          %parallel_loop3A_128 = arith.constant 16 : i32
          %parallel_loop3A_129 = vector.broadcast %parallel_loop3A_128 : i32 to vector<16xi32>
          %parallel_loop3A_130 = arith.addi %parallel_loop3A_129, %iota3A : vector<16xi32>
          tpu.vector_store_idx %arg8[%parallel_loop3A_118, %parallel_loop3A_130], %parallel_loop3A_127 {add = true} : memref<512x128xf32, #tpu.memory_space<vmem>>[vector<16xi32>, vector<16xi32>], vector<16xf32>,
          %parallel_loop3A_131 = arith.index_cast %parallel_loop3A_112 : i32 to index
          %parallel_loop3A_132 = arith.constant 32 : index
          %parallel_loop3A_133 = tpu.vector_load %arg10[%parallel_loop3A_131, %parallel_loop3A_132] {strides = array<i32>} : memref<128x128xf32, #tpu.memory_space<vmem>>, vector<16xf32>,
          %parallel_loop3A_134 = arith.constant 32 : i32
          %parallel_loop3A_135 = vector.broadcast %parallel_loop3A_134 : i32 to vector<16xi32>
          %parallel_loop3A_136 = arith.addi %parallel_loop3A_135, %iota3A : vector<16xi32>
          tpu.vector_store_idx %arg8[%parallel_loop3A_118, %parallel_loop3A_136], %parallel_loop3A_133 {add = true} : memref<512x128xf32, #tpu.memory_space<vmem>>[vector<16xi32>, vector<16xi32>], vector<16xf32>,
          %parallel_loop3A_137 = arith.index_cast %parallel_loop3A_112 : i32 to index
          %parallel_loop3A_138 = arith.constant 48 : index
          %parallel_loop3A_139 = tpu.vector_load %arg10[%parallel_loop3A_137, %parallel_loop3A_138] {strides = array<i32>} : memref<128x128xf32, #tpu.memory_space<vmem>>, vector<16xf32>,
          %parallel_loop3A_140 = arith.constant 48 : i32
          %parallel_loop3A_141 = vector.broadcast %parallel_loop3A_140 : i32 to vector<16xi32>
          %parallel_loop3A_142 = arith.addi %parallel_loop3A_141, %iota3A : vector<16xi32>
          tpu.vector_store_idx %arg8[%parallel_loop3A_118, %parallel_loop3A_142], %parallel_loop3A_139 {add = true} : memref<512x128xf32, #tpu.memory_space<vmem>>[vector<16xi32>, vector<16xi32>], vector<16xf32>,
          %parallel_loop3A_143 = arith.index_cast %parallel_loop3A_112 : i32 to index
          %parallel_loop3A_144 = arith.constant 64 : index
          %parallel_loop3A_145 = tpu.vector_load %arg10[%parallel_loop3A_143, %parallel_loop3A_144] {strides = array<i32>} : memref<128x128xf32, #tpu.memory_space<vmem>>, vector<16xf32>,
          %parallel_loop3A_146 = arith.constant 64 : i32
          %parallel_loop3A_147 = vector.broadcast %parallel_loop3A_146 : i32 to vector<16xi32>
          %parallel_loop3A_148 = arith.addi %parallel_loop3A_147, %iota3A : vector<16xi32>
          tpu.vector_store_idx %arg8[%parallel_loop3A_118, %parallel_loop3A_148], %parallel_loop3A_145 {add = true} : memref<512x128xf32, #tpu.memory_space<vmem>>[vector<16xi32>, vector<16xi32>], vector<16xf32>,
          %parallel_loop3A_149 = arith.index_cast %parallel_loop3A_112 : i32 to index
          %parallel_loop3A_150 = arith.constant 80 : index
          %parallel_loop3A_151 = tpu.vector_load %arg10[%parallel_loop3A_149, %parallel_loop3A_150] {strides = array<i32>} : memref<128x128xf32, #tpu.memory_space<vmem>>, vector<16xf32>,
          %parallel_loop3A_152 = arith.constant 80 : i32
          %parallel_loop3A_153 = vector.broadcast %parallel_loop3A_152 : i32 to vector<16xi32>
          %parallel_loop3A_154 = arith.addi %parallel_loop3A_153, %iota3A : vector<16xi32>
          tpu.vector_store_idx %arg8[%parallel_loop3A_118, %parallel_loop3A_154], %parallel_loop3A_151 {add = true} : memref<512x128xf32, #tpu.memory_space<vmem>>[vector<16xi32>, vector<16xi32>], vector<16xf32>,
          %parallel_loop3A_155 = arith.index_cast %parallel_loop3A_112 : i32 to index
          %parallel_loop3A_156 = arith.constant 96 : index
          %parallel_loop3A_157 = tpu.vector_load %arg10[%parallel_loop3A_155, %parallel_loop3A_156] {strides = array<i32>} : memref<128x128xf32, #tpu.memory_space<vmem>>, vector<16xf32>,
          %parallel_loop3A_158 = arith.constant 96 : i32
          %parallel_loop3A_159 = vector.broadcast %parallel_loop3A_158 : i32 to vector<16xi32>
          %parallel_loop3A_160 = arith.addi %parallel_loop3A_159, %iota3A : vector<16xi32>
          tpu.vector_store_idx %arg8[%parallel_loop3A_118, %parallel_loop3A_160], %parallel_loop3A_157 {add = true} : memref<512x128xf32, #tpu.memory_space<vmem>>[vector<16xi32>, vector<16xi32>], vector<16xf32>,
          %parallel_loop3A_161 = arith.index_cast %parallel_loop3A_112 : i32 to index
          %parallel_loop3A_162 = arith.constant 112 : index
          %parallel_loop3A_163 = tpu.vector_load %arg10[%parallel_loop3A_161, %parallel_loop3A_162] {strides = array<i32>} : memref<128x128xf32, #tpu.memory_space<vmem>>, vector<16xf32>,
          %parallel_loop3A_164 = arith.constant 112 : i32
          %parallel_loop3A_165 = vector.broadcast %parallel_loop3A_164 : i32 to vector<16xi32>
          %parallel_loop3A_166 = arith.addi %parallel_loop3A_165, %iota3A : vector<16xi32>
          tpu.vector_store_idx %arg8[%parallel_loop3A_118, %parallel_loop3A_166], %parallel_loop3A_163 {add = true} : memref<512x128xf32, #tpu.memory_space<vmem>>[vector<16xi32>, vector<16xi32>], vector<16xf32>,
          tpu.vector_store_idx %arg12[%broadcast_in_dim3A_38, %parallel_loop3A_118], %broadcast_in_dim3A_33 masked %lt3A_36 {add = true} : memref<1x512xf32, #tpu.memory_space<vmem>>[vector<16xi32>, vector<16xi32>], vector<16xf32>, vector<16xi1>
        } {sc.loop_unroll_factor = 4 : i64, sc.parallel_access}
      }
      %scan3A_65 = arith.constant 8 : i32
      "tpu.region"() ({
        %run_scoped3A = tpu.sem_alloc : memref<!tpu.dma_semaphore, #tpu.memory_space<semaphore_mem>>
        %dma_start3A_66 = arith.constant 0 : i32
        %dma_start3A_67 = arith.constant 0 : i32
        %dma_start3A_68 = tpu.memref_slice %arg6[%add3A_30, %dma_start3A_66, %dma_start3A_67] : memref<32x512x128xf32, #tpu.memory_space<hbm>> -> memref<1x512x128xf32, #tpu.memory_space<hbm>>
        %dma_start3A_69 = tpu.memref_squeeze %dma_start3A_68 : memref<1x512x128xf32, #tpu.memory_space<hbm>> -> memref<512x128xf32, #tpu.memory_space<hbm>>
        %dma_start3A_70 = arith.constant 0 : i32
        %dma_start3A_71 = arith.constant 0 : i32
        %dma_start3A_72 = tpu.memref_slice %arg6[%add3A_30, %dma_start3A_70, %dma_start3A_71] : memref<32x512x128xf32, #tpu.memory_space<hbm>> -> memref<1x512x128xf32, #tpu.memory_space<hbm>>
        %dma_start3A_73 = tpu.memref_squeeze %dma_start3A_72 : memref<1x512x128xf32, #tpu.memory_space<hbm>> -> memref<512x128xf32, #tpu.memory_space<hbm>>
        tpu.enqueue_dma source(%arg8 : memref<512x128xf32, #tpu.memory_space<vmem>>) target(%dma_start3A_73 : memref<512x128xf32, #tpu.memory_space<hbm>>) target_semaphore(%run_scoped3A : memref<!tpu.dma_semaphore, #tpu.memory_space<semaphore_mem>>)
        %dma_wait3A = arith.constant 0 : i32
        %dma_wait3A_74 = arith.constant 0 : i32
        %dma_wait3A_75 = tpu.memref_slice %arg6[%add3A_30, %dma_wait3A, %dma_wait3A_74] : memref<32x512x128xf32, #tpu.memory_space<hbm>> -> memref<1x512x128xf32, #tpu.memory_space<hbm>>
        %dma_wait3A_76 = tpu.memref_squeeze %dma_wait3A_75 : memref<1x512x128xf32, #tpu.memory_space<hbm>> -> memref<512x128xf32, #tpu.memory_space<hbm>>
        %dma_wait3A_77 = arith.constant 0 : i32
        %dma_wait3A_78 = arith.constant 0 : i32
        %dma_wait3A_79 = tpu.memref_slice %arg6[%add3A_30, %dma_wait3A_77, %dma_wait3A_78] : memref<32x512x128xf32, #tpu.memory_space<hbm>> -> memref<1x512x128xf32, #tpu.memory_space<hbm>>
        %dma_wait3A_80 = tpu.memref_squeeze %dma_wait3A_79 : memref<1x512x128xf32, #tpu.memory_space<hbm>> -> memref<512x128xf32, #tpu.memory_space<hbm>>
        tpu.wait_dma2 semaphore(%run_scoped3A : memref<!tpu.dma_semaphore, #tpu.memory_space<semaphore_mem>>) src(%arg8 : memref<512x128xf32, #tpu.memory_space<vmem>>) dst(%dma_wait3A_80 : memref<512x128xf32, #tpu.memory_space<hbm>>)
        tpu.yield
      }) : () -> ()
      "tpu.region"() ({
        %run_scoped3A = tpu.sem_alloc : memref<!tpu.dma_semaphore, #tpu.memory_space<semaphore_mem>>
        %dma_start3A_66 = arith.constant 0 : i32
        %dma_start3A_67 = arith.constant 0 : i32
        %dma_start3A_68 = tpu.memref_slice %arg7[%add3A_30, %dma_start3A_66, %dma_start3A_67] : memref<32x1x512xf32, #tpu.memory_space<hbm>> -> memref<1x1x512xf32, #tpu.memory_space<hbm>>
        %dma_start3A_69 = tpu.memref_squeeze %dma_start3A_68 : memref<1x1x512xf32, #tpu.memory_space<hbm>> -> memref<1x512xf32, #tpu.memory_space<hbm>>
        %dma_start3A_70 = arith.constant 0 : i32
        %dma_start3A_71 = arith.constant 0 : i32
        %dma_start3A_72 = tpu.memref_slice %arg7[%add3A_30, %dma_start3A_70, %dma_start3A_71] : memref<32x1x512xf32, #tpu.memory_space<hbm>> -> memref<1x1x512xf32, #tpu.memory_space<hbm>>
        %dma_start3A_73 = tpu.memref_squeeze %dma_start3A_72 : memref<1x1x512xf32, #tpu.memory_space<hbm>> -> memref<1x512xf32, #tpu.memory_space<hbm>>
        tpu.enqueue_dma source(%arg12 : memref<1x512xf32, #tpu.memory_space<vmem>>) target(%dma_start3A_73 : memref<1x512xf32, #tpu.memory_space<hbm>>) target_semaphore(%run_scoped3A : memref<!tpu.dma_semaphore, #tpu.memory_space<semaphore_mem>>)
        %dma_wait3A = arith.constant 0 : i32
        %dma_wait3A_74 = arith.constant 0 : i32
        %dma_wait3A_75 = tpu.memref_slice %arg7[%add3A_30, %dma_wait3A, %dma_wait3A_74] : memref<32x1x512xf32, #tpu.memory_space<hbm>> -> memref<1x1x512xf32, #tpu.memory_space<hbm>>
        %dma_wait3A_76 = tpu.memref_squeeze %dma_wait3A_75 : memref<1x1x512xf32, #tpu.memory_space<hbm>> -> memref<1x512xf32, #tpu.memory_space<hbm>>
        %dma_wait3A_77 = arith.constant 0 : i32
        %dma_wait3A_78 = arith.constant 0 : i32
        %dma_wait3A_79 = tpu.memref_slice %arg7[%add3A_30, %dma_wait3A_77, %dma_wait3A_78] : memref<32x1x512xf32, #tpu.memory_space<hbm>> -> memref<1x1x512xf32, #tpu.memory_space<hbm>>
        %dma_wait3A_80 = tpu.memref_squeeze %dma_wait3A_79 : memref<1x1x512xf32, #tpu.memory_space<hbm>> -> memref<1x512xf32, #tpu.memory_space<hbm>>
        tpu.wait_dma2 semaphore(%run_scoped3A : memref<!tpu.dma_semaphore, #tpu.memory_space<semaphore_mem>>) src(%arg12 : memref<1x512xf32, #tpu.memory_space<vmem>>) dst(%dma_wait3A_80 : memref<1x512xf32, #tpu.memory_space<hbm>>)
        tpu.yield
      }) : () -> ()
    } else {
    }
    return
  }
}

module attributes {stable_mosaic.version = 14 : i64} {
  func.func @_combine_kernel(%arg0: memref<32x512x128xf32, #tpu.memory_space<vmem>>, %arg1: memref<32x1x512xf32, #tpu.memory_space<vmem>>, %arg2: memref<256x512xf32, #tpu.memory_space<vmem>>, %arg3: memref<256x512xf32, #tpu.memory_space<vmem>>, %arg4: memref<512x1xf32, #tpu.memory_space<vmem>>, %arg5: memref<512x1xf32, #tpu.memory_space<vmem>>, %arg6: memref<512x1xf32, #tpu.memory_space<vmem>>, %arg7: memref<1x1xf32, #tpu.memory_space<vmem>>) attributes {dimension_semantics = [], scalar_prefetch = 0 : i64, scratch_operands = 0 : i64, tpu.core_type = #tpu.core_type<tc>} {
    %get3A = arith.constant 0 : index
    %get3A_0 = arith.constant 0 : index
    %get3A_1 = vector.load %arg2[%get3A, %get3A_0] : memref<256x512xf32, #tpu.memory_space<vmem>>, vector<256x512xf32>
    %transpose3A = tpu.transpose %get3A_1, [1, 0] : vector<256x512xf32> -> vector<512x256xf32>
    %get3A_2 = arith.constant 0 : index
    %get3A_3 = arith.constant 0 : index
    %get3A_4 = vector.load %arg3[%get3A_2, %get3A_3] : memref<256x512xf32, #tpu.memory_space<vmem>>, vector<256x512xf32>
    %transpose3A_5 = tpu.transpose %get3A_4, [1, 0] : vector<256x512xf32> -> vector<512x256xf32>
    %get3A_6 = arith.constant 0 : index
    %get3A_7 = arith.constant 0 : index
    %get3A_8 = arith.constant 0 : index
    %get3A_9 = vector.load %arg0[%get3A_6, %get3A_7, %get3A_8] : memref<32x512x128xf32, #tpu.memory_space<vmem>>, vector<1x512x128xf32>
    %get3A_10 = vector.shape_cast %get3A_9 : vector<1x512x128xf32> to vector<512x128xf32>
    %get3A_11 = arith.constant 1 : index
    %get3A_12 = arith.constant 0 : index
    %get3A_13 = arith.constant 0 : index
    %get3A_14 = vector.load %arg0[%get3A_11, %get3A_12, %get3A_13] : memref<32x512x128xf32, #tpu.memory_space<vmem>>, vector<1x512x128xf32>
    %get3A_15 = vector.shape_cast %get3A_14 : vector<1x512x128xf32> to vector<512x128xf32>
    %get3A_16 = arith.constant 2 : index
    %get3A_17 = arith.constant 0 : index
    %get3A_18 = arith.constant 0 : index
    %get3A_19 = vector.load %arg0[%get3A_16, %get3A_17, %get3A_18] : memref<32x512x128xf32, #tpu.memory_space<vmem>>, vector<1x512x128xf32>
    %get3A_20 = vector.shape_cast %get3A_19 : vector<1x512x128xf32> to vector<512x128xf32>
    %add3A = arith.addf %get3A_10, %get3A_20 : vector<512x128xf32>
    %get3A_21 = arith.constant 3 : index
    %get3A_22 = arith.constant 0 : index
    %get3A_23 = arith.constant 0 : index
    %get3A_24 = vector.load %arg0[%get3A_21, %get3A_22, %get3A_23] : memref<32x512x128xf32, #tpu.memory_space<vmem>>, vector<1x512x128xf32>
    %get3A_25 = vector.shape_cast %get3A_24 : vector<1x512x128xf32> to vector<512x128xf32>
    %add3A_26 = arith.addf %get3A_15, %get3A_25 : vector<512x128xf32>
    %get3A_27 = arith.constant 4 : index
    %get3A_28 = arith.constant 0 : index
    %get3A_29 = arith.constant 0 : index
    %get3A_30 = vector.load %arg0[%get3A_27, %get3A_28, %get3A_29] : memref<32x512x128xf32, #tpu.memory_space<vmem>>, vector<1x512x128xf32>
    %get3A_31 = vector.shape_cast %get3A_30 : vector<1x512x128xf32> to vector<512x128xf32>
    %add3A_32 = arith.addf %add3A, %get3A_31 : vector<512x128xf32>
    %get3A_33 = arith.constant 5 : index
    %get3A_34 = arith.constant 0 : index
    %get3A_35 = arith.constant 0 : index
    %get3A_36 = vector.load %arg0[%get3A_33, %get3A_34, %get3A_35] : memref<32x512x128xf32, #tpu.memory_space<vmem>>, vector<1x512x128xf32>
    %get3A_37 = vector.shape_cast %get3A_36 : vector<1x512x128xf32> to vector<512x128xf32>
    %add3A_38 = arith.addf %add3A_26, %get3A_37 : vector<512x128xf32>
    %get3A_39 = arith.constant 6 : index
    %get3A_40 = arith.constant 0 : index
    %get3A_41 = arith.constant 0 : index
    %get3A_42 = vector.load %arg0[%get3A_39, %get3A_40, %get3A_41] : memref<32x512x128xf32, #tpu.memory_space<vmem>>, vector<1x512x128xf32>
    %get3A_43 = vector.shape_cast %get3A_42 : vector<1x512x128xf32> to vector<512x128xf32>
    %add3A_44 = arith.addf %add3A_32, %get3A_43 : vector<512x128xf32>
    %get3A_45 = arith.constant 7 : index
    %get3A_46 = arith.constant 0 : index
    %get3A_47 = arith.constant 0 : index
    %get3A_48 = vector.load %arg0[%get3A_45, %get3A_46, %get3A_47] : memref<32x512x128xf32, #tpu.memory_space<vmem>>, vector<1x512x128xf32>
    %get3A_49 = vector.shape_cast %get3A_48 : vector<1x512x128xf32> to vector<512x128xf32>
    %add3A_50 = arith.addf %add3A_38, %get3A_49 : vector<512x128xf32>
    %get3A_51 = arith.constant 8 : index
    %get3A_52 = arith.constant 0 : index
    %get3A_53 = arith.constant 0 : index
    %get3A_54 = vector.load %arg0[%get3A_51, %get3A_52, %get3A_53] : memref<32x512x128xf32, #tpu.memory_space<vmem>>, vector<1x512x128xf32>
    %get3A_55 = vector.shape_cast %get3A_54 : vector<1x512x128xf32> to vector<512x128xf32>
    %add3A_56 = arith.addf %add3A_44, %get3A_55 : vector<512x128xf32>
    %get3A_57 = arith.constant 9 : index
    %get3A_58 = arith.constant 0 : index
    %get3A_59 = arith.constant 0 : index
    %get3A_60 = vector.load %arg0[%get3A_57, %get3A_58, %get3A_59] : memref<32x512x128xf32, #tpu.memory_space<vmem>>, vector<1x512x128xf32>
    %get3A_61 = vector.shape_cast %get3A_60 : vector<1x512x128xf32> to vector<512x128xf32>
    %add3A_62 = arith.addf %add3A_50, %get3A_61 : vector<512x128xf32>
    %get3A_63 = arith.constant 10 : index
    %get3A_64 = arith.constant 0 : index
    %get3A_65 = arith.constant 0 : index
    %get3A_66 = vector.load %arg0[%get3A_63, %get3A_64, %get3A_65] : memref<32x512x128xf32, #tpu.memory_space<vmem>>, vector<1x512x128xf32>
    %get3A_67 = vector.shape_cast %get3A_66 : vector<1x512x128xf32> to vector<512x128xf32>
    %add3A_68 = arith.addf %add3A_56, %get3A_67 : vector<512x128xf32>
    %get3A_69 = arith.constant 11 : index
    %get3A_70 = arith.constant 0 : index
    %get3A_71 = arith.constant 0 : index
    %get3A_72 = vector.load %arg0[%get3A_69, %get3A_70, %get3A_71] : memref<32x512x128xf32, #tpu.memory_space<vmem>>, vector<1x512x128xf32>
    %get3A_73 = vector.shape_cast %get3A_72 : vector<1x512x128xf32> to vector<512x128xf32>
    %add3A_74 = arith.addf %add3A_62, %get3A_73 : vector<512x128xf32>
    %get3A_75 = arith.constant 12 : index
    %get3A_76 = arith.constant 0 : index
    %get3A_77 = arith.constant 0 : index
    %get3A_78 = vector.load %arg0[%get3A_75, %get3A_76, %get3A_77] : memref<32x512x128xf32, #tpu.memory_space<vmem>>, vector<1x512x128xf32>
    %get3A_79 = vector.shape_cast %get3A_78 : vector<1x512x128xf32> to vector<512x128xf32>
    %add3A_80 = arith.addf %add3A_68, %get3A_79 : vector<512x128xf32>
    %get3A_81 = arith.constant 13 : index
    %get3A_82 = arith.constant 0 : index
    %get3A_83 = arith.constant 0 : index
    %get3A_84 = vector.load %arg0[%get3A_81, %get3A_82, %get3A_83] : memref<32x512x128xf32, #tpu.memory_space<vmem>>, vector<1x512x128xf32>
    %get3A_85 = vector.shape_cast %get3A_84 : vector<1x512x128xf32> to vector<512x128xf32>
    %add3A_86 = arith.addf %add3A_74, %get3A_85 : vector<512x128xf32>
    %get3A_87 = arith.constant 14 : index
    %get3A_88 = arith.constant 0 : index
    %get3A_89 = arith.constant 0 : index
    %get3A_90 = vector.load %arg0[%get3A_87, %get3A_88, %get3A_89] : memref<32x512x128xf32, #tpu.memory_space<vmem>>, vector<1x512x128xf32>
    %get3A_91 = vector.shape_cast %get3A_90 : vector<1x512x128xf32> to vector<512x128xf32>
    %add3A_92 = arith.addf %add3A_80, %get3A_91 : vector<512x128xf32>
    %get3A_93 = arith.constant 15 : index
    %get3A_94 = arith.constant 0 : index
    %get3A_95 = arith.constant 0 : index
    %get3A_96 = vector.load %arg0[%get3A_93, %get3A_94, %get3A_95] : memref<32x512x128xf32, #tpu.memory_space<vmem>>, vector<1x512x128xf32>
    %get3A_97 = vector.shape_cast %get3A_96 : vector<1x512x128xf32> to vector<512x128xf32>
    %add3A_98 = arith.addf %add3A_86, %get3A_97 : vector<512x128xf32>
    %concatenate3A = tpu.concatenate %add3A_92, %add3A_98 in 1 : vector<512x128xf32>, vector<512x128xf32> -> vector<512x256xf32>
    %get3A_99 = arith.constant 16 : index
    %get3A_100 = arith.constant 0 : index
    %get3A_101 = arith.constant 0 : index
    %get3A_102 = vector.load %arg0[%get3A_99, %get3A_100, %get3A_101] : memref<32x512x128xf32, #tpu.memory_space<vmem>>, vector<1x512x128xf32>
    %get3A_103 = vector.shape_cast %get3A_102 : vector<1x512x128xf32> to vector<512x128xf32>
    %get3A_104 = arith.constant 17 : index
    %get3A_105 = arith.constant 0 : index
    %get3A_106 = arith.constant 0 : index
    %get3A_107 = vector.load %arg0[%get3A_104, %get3A_105, %get3A_106] : memref<32x512x128xf32, #tpu.memory_space<vmem>>, vector<1x512x128xf32>
    %get3A_108 = vector.shape_cast %get3A_107 : vector<1x512x128xf32> to vector<512x128xf32>
    %get3A_109 = arith.constant 18 : index
    %get3A_110 = arith.constant 0 : index
    %get3A_111 = arith.constant 0 : index
    %get3A_112 = vector.load %arg0[%get3A_109, %get3A_110, %get3A_111] : memref<32x512x128xf32, #tpu.memory_space<vmem>>, vector<1x512x128xf32>
    %get3A_113 = vector.shape_cast %get3A_112 : vector<1x512x128xf32> to vector<512x128xf32>
    %add3A_114 = arith.addf %get3A_103, %get3A_113 : vector<512x128xf32>
    %get3A_115 = arith.constant 19 : index
    %get3A_116 = arith.constant 0 : index
    %get3A_117 = arith.constant 0 : index
    %get3A_118 = vector.load %arg0[%get3A_115, %get3A_116, %get3A_117] : memref<32x512x128xf32, #tpu.memory_space<vmem>>, vector<1x512x128xf32>
    %get3A_119 = vector.shape_cast %get3A_118 : vector<1x512x128xf32> to vector<512x128xf32>
    %add3A_120 = arith.addf %get3A_108, %get3A_119 : vector<512x128xf32>
    %get3A_121 = arith.constant 20 : index
    %get3A_122 = arith.constant 0 : index
    %get3A_123 = arith.constant 0 : index
    %get3A_124 = vector.load %arg0[%get3A_121, %get3A_122, %get3A_123] : memref<32x512x128xf32, #tpu.memory_space<vmem>>, vector<1x512x128xf32>
    %get3A_125 = vector.shape_cast %get3A_124 : vector<1x512x128xf32> to vector<512x128xf32>
    %add3A_126 = arith.addf %add3A_114, %get3A_125 : vector<512x128xf32>
    %get3A_127 = arith.constant 21 : index
    %get3A_128 = arith.constant 0 : index
    %get3A_129 = arith.constant 0 : index
    %get3A_130 = vector.load %arg0[%get3A_127, %get3A_128, %get3A_129] : memref<32x512x128xf32, #tpu.memory_space<vmem>>, vector<1x512x128xf32>
    %get3A_131 = vector.shape_cast %get3A_130 : vector<1x512x128xf32> to vector<512x128xf32>
    %add3A_132 = arith.addf %add3A_120, %get3A_131 : vector<512x128xf32>
    %get3A_133 = arith.constant 22 : index
    %get3A_134 = arith.constant 0 : index
    %get3A_135 = arith.constant 0 : index
    %get3A_136 = vector.load %arg0[%get3A_133, %get3A_134, %get3A_135] : memref<32x512x128xf32, #tpu.memory_space<vmem>>, vector<1x512x128xf32>
    %get3A_137 = vector.shape_cast %get3A_136 : vector<1x512x128xf32> to vector<512x128xf32>
    %add3A_138 = arith.addf %add3A_126, %get3A_137 : vector<512x128xf32>
    %get3A_139 = arith.constant 23 : index
    %get3A_140 = arith.constant 0 : index
    %get3A_141 = arith.constant 0 : index
    %get3A_142 = vector.load %arg0[%get3A_139, %get3A_140, %get3A_141] : memref<32x512x128xf32, #tpu.memory_space<vmem>>, vector<1x512x128xf32>
    %get3A_143 = vector.shape_cast %get3A_142 : vector<1x512x128xf32> to vector<512x128xf32>
    %add3A_144 = arith.addf %add3A_132, %get3A_143 : vector<512x128xf32>
    %get3A_145 = arith.constant 24 : index
    %get3A_146 = arith.constant 0 : index
    %get3A_147 = arith.constant 0 : index
    %get3A_148 = vector.load %arg0[%get3A_145, %get3A_146, %get3A_147] : memref<32x512x128xf32, #tpu.memory_space<vmem>>, vector<1x512x128xf32>
    %get3A_149 = vector.shape_cast %get3A_148 : vector<1x512x128xf32> to vector<512x128xf32>
    %add3A_150 = arith.addf %add3A_138, %get3A_149 : vector<512x128xf32>
    %get3A_151 = arith.constant 25 : index
    %get3A_152 = arith.constant 0 : index
    %get3A_153 = arith.constant 0 : index
    %get3A_154 = vector.load %arg0[%get3A_151, %get3A_152, %get3A_153] : memref<32x512x128xf32, #tpu.memory_space<vmem>>, vector<1x512x128xf32>
    %get3A_155 = vector.shape_cast %get3A_154 : vector<1x512x128xf32> to vector<512x128xf32>
    %add3A_156 = arith.addf %add3A_144, %get3A_155 : vector<512x128xf32>
    %get3A_157 = arith.constant 26 : index
    %get3A_158 = arith.constant 0 : index
    %get3A_159 = arith.constant 0 : index
    %get3A_160 = vector.load %arg0[%get3A_157, %get3A_158, %get3A_159] : memref<32x512x128xf32, #tpu.memory_space<vmem>>, vector<1x512x128xf32>
    %get3A_161 = vector.shape_cast %get3A_160 : vector<1x512x128xf32> to vector<512x128xf32>
    %add3A_162 = arith.addf %add3A_150, %get3A_161 : vector<512x128xf32>
    %get3A_163 = arith.constant 27 : index
    %get3A_164 = arith.constant 0 : index
    %get3A_165 = arith.constant 0 : index
    %get3A_166 = vector.load %arg0[%get3A_163, %get3A_164, %get3A_165] : memref<32x512x128xf32, #tpu.memory_space<vmem>>, vector<1x512x128xf32>
    %get3A_167 = vector.shape_cast %get3A_166 : vector<1x512x128xf32> to vector<512x128xf32>
    %add3A_168 = arith.addf %add3A_156, %get3A_167 : vector<512x128xf32>
    %get3A_169 = arith.constant 28 : index
    %get3A_170 = arith.constant 0 : index
    %get3A_171 = arith.constant 0 : index
    %get3A_172 = vector.load %arg0[%get3A_169, %get3A_170, %get3A_171] : memref<32x512x128xf32, #tpu.memory_space<vmem>>, vector<1x512x128xf32>
    %get3A_173 = vector.shape_cast %get3A_172 : vector<1x512x128xf32> to vector<512x128xf32>
    %add3A_174 = arith.addf %add3A_162, %get3A_173 : vector<512x128xf32>
    %get3A_175 = arith.constant 29 : index
    %get3A_176 = arith.constant 0 : index
    %get3A_177 = arith.constant 0 : index
    %get3A_178 = vector.load %arg0[%get3A_175, %get3A_176, %get3A_177] : memref<32x512x128xf32, #tpu.memory_space<vmem>>, vector<1x512x128xf32>
    %get3A_179 = vector.shape_cast %get3A_178 : vector<1x512x128xf32> to vector<512x128xf32>
    %add3A_180 = arith.addf %add3A_168, %get3A_179 : vector<512x128xf32>
    %get3A_181 = arith.constant 30 : index
    %get3A_182 = arith.constant 0 : index
    %get3A_183 = arith.constant 0 : index
    %get3A_184 = vector.load %arg0[%get3A_181, %get3A_182, %get3A_183] : memref<32x512x128xf32, #tpu.memory_space<vmem>>, vector<1x512x128xf32>
    %get3A_185 = vector.shape_cast %get3A_184 : vector<1x512x128xf32> to vector<512x128xf32>
    %add3A_186 = arith.addf %add3A_174, %get3A_185 : vector<512x128xf32>
    %get3A_187 = arith.constant 31 : index
    %get3A_188 = arith.constant 0 : index
    %get3A_189 = arith.constant 0 : index
    %get3A_190 = vector.load %arg0[%get3A_187, %get3A_188, %get3A_189] : memref<32x512x128xf32, #tpu.memory_space<vmem>>, vector<1x512x128xf32>
    %get3A_191 = vector.shape_cast %get3A_190 : vector<1x512x128xf32> to vector<512x128xf32>
    %add3A_192 = arith.addf %add3A_180, %get3A_191 : vector<512x128xf32>
    %concatenate3A_193 = tpu.concatenate %add3A_186, %add3A_192 in 1 : vector<512x128xf32>, vector<512x128xf32> -> vector<512x256xf32>
    %get3A_194 = arith.constant 0 : index
    %get3A_195 = arith.constant 0 : index
    %get3A_196 = arith.constant 0 : index
    %get3A_197 = vector.load %arg1[%get3A_194, %get3A_195, %get3A_196] : memref<32x1x512xf32, #tpu.memory_space<vmem>>, vector<1x1x512xf32>
    %get3A_198 = vector.shape_cast %get3A_197 : vector<1x1x512xf32> to vector<1x512xf32>
    %get3A_199 = arith.constant 1 : index
    %get3A_200 = arith.constant 0 : index
    %get3A_201 = arith.constant 0 : index
    %get3A_202 = vector.load %arg1[%get3A_199, %get3A_200, %get3A_201] : memref<32x1x512xf32, #tpu.memory_space<vmem>>, vector<1x1x512xf32>
    %get3A_203 = vector.shape_cast %get3A_202 : vector<1x1x512xf32> to vector<1x512xf32>
    %add3A_204 = arith.addf %get3A_198, %get3A_203 : vector<1x512xf32>
    %get3A_205 = arith.constant 2 : index
    %get3A_206 = arith.constant 0 : index
    %get3A_207 = arith.constant 0 : index
    %get3A_208 = vector.load %arg1[%get3A_205, %get3A_206, %get3A_207] : memref<32x1x512xf32, #tpu.memory_space<vmem>>, vector<1x1x512xf32>
    %get3A_209 = vector.shape_cast %get3A_208 : vector<1x1x512xf32> to vector<1x512xf32>
    %add3A_210 = arith.addf %add3A_204, %get3A_209 : vector<1x512xf32>
    %get3A_211 = arith.constant 3 : index
    %get3A_212 = arith.constant 0 : index
    %get3A_213 = arith.constant 0 : index
    %get3A_214 = vector.load %arg1[%get3A_211, %get3A_212, %get3A_213] : memref<32x1x512xf32, #tpu.memory_space<vmem>>, vector<1x1x512xf32>
    %get3A_215 = vector.shape_cast %get3A_214 : vector<1x1x512xf32> to vector<1x512xf32>
    %add3A_216 = arith.addf %add3A_210, %get3A_215 : vector<1x512xf32>
    %get3A_217 = arith.constant 4 : index
    %get3A_218 = arith.constant 0 : index
    %get3A_219 = arith.constant 0 : index
    %get3A_220 = vector.load %arg1[%get3A_217, %get3A_218, %get3A_219] : memref<32x1x512xf32, #tpu.memory_space<vmem>>, vector<1x1x512xf32>
    %get3A_221 = vector.shape_cast %get3A_220 : vector<1x1x512xf32> to vector<1x512xf32>
    %add3A_222 = arith.addf %add3A_216, %get3A_221 : vector<1x512xf32>
    %get3A_223 = arith.constant 5 : index
    %get3A_224 = arith.constant 0 : index
    %get3A_225 = arith.constant 0 : index
    %get3A_226 = vector.load %arg1[%get3A_223, %get3A_224, %get3A_225] : memref<32x1x512xf32, #tpu.memory_space<vmem>>, vector<1x1x512xf32>
    %get3A_227 = vector.shape_cast %get3A_226 : vector<1x1x512xf32> to vector<1x512xf32>
    %add3A_228 = arith.addf %add3A_222, %get3A_227 : vector<1x512xf32>
    %get3A_229 = arith.constant 6 : index
    %get3A_230 = arith.constant 0 : index
    %get3A_231 = arith.constant 0 : index
    %get3A_232 = vector.load %arg1[%get3A_229, %get3A_230, %get3A_231] : memref<32x1x512xf32, #tpu.memory_space<vmem>>, vector<1x1x512xf32>
    %get3A_233 = vector.shape_cast %get3A_232 : vector<1x1x512xf32> to vector<1x512xf32>
    %add3A_234 = arith.addf %add3A_228, %get3A_233 : vector<1x512xf32>
    %get3A_235 = arith.constant 7 : index
    %get3A_236 = arith.constant 0 : index
    %get3A_237 = arith.constant 0 : index
    %get3A_238 = vector.load %arg1[%get3A_235, %get3A_236, %get3A_237] : memref<32x1x512xf32, #tpu.memory_space<vmem>>, vector<1x1x512xf32>
    %get3A_239 = vector.shape_cast %get3A_238 : vector<1x1x512xf32> to vector<1x512xf32>
    %add3A_240 = arith.addf %add3A_234, %get3A_239 : vector<1x512xf32>
    %get3A_241 = arith.constant 8 : index
    %get3A_242 = arith.constant 0 : index
    %get3A_243 = arith.constant 0 : index
    %get3A_244 = vector.load %arg1[%get3A_241, %get3A_242, %get3A_243] : memref<32x1x512xf32, #tpu.memory_space<vmem>>, vector<1x1x512xf32>
    %get3A_245 = vector.shape_cast %get3A_244 : vector<1x1x512xf32> to vector<1x512xf32>
    %add3A_246 = arith.addf %add3A_240, %get3A_245 : vector<1x512xf32>
    %get3A_247 = arith.constant 9 : index
    %get3A_248 = arith.constant 0 : index
    %get3A_249 = arith.constant 0 : index
    %get3A_250 = vector.load %arg1[%get3A_247, %get3A_248, %get3A_249] : memref<32x1x512xf32, #tpu.memory_space<vmem>>, vector<1x1x512xf32>
    %get3A_251 = vector.shape_cast %get3A_250 : vector<1x1x512xf32> to vector<1x512xf32>
    %add3A_252 = arith.addf %add3A_246, %get3A_251 : vector<1x512xf32>
    %get3A_253 = arith.constant 10 : index
    %get3A_254 = arith.constant 0 : index
    %get3A_255 = arith.constant 0 : index
    %get3A_256 = vector.load %arg1[%get3A_253, %get3A_254, %get3A_255] : memref<32x1x512xf32, #tpu.memory_space<vmem>>, vector<1x1x512xf32>
    %get3A_257 = vector.shape_cast %get3A_256 : vector<1x1x512xf32> to vector<1x512xf32>
    %add3A_258 = arith.addf %add3A_252, %get3A_257 : vector<1x512xf32>
    %get3A_259 = arith.constant 11 : index
    %get3A_260 = arith.constant 0 : index
    %get3A_261 = arith.constant 0 : index
    %get3A_262 = vector.load %arg1[%get3A_259, %get3A_260, %get3A_261] : memref<32x1x512xf32, #tpu.memory_space<vmem>>, vector<1x1x512xf32>
    %get3A_263 = vector.shape_cast %get3A_262 : vector<1x1x512xf32> to vector<1x512xf32>
    %add3A_264 = arith.addf %add3A_258, %get3A_263 : vector<1x512xf32>
    %get3A_265 = arith.constant 12 : index
    %get3A_266 = arith.constant 0 : index
    %get3A_267 = arith.constant 0 : index
    %get3A_268 = vector.load %arg1[%get3A_265, %get3A_266, %get3A_267] : memref<32x1x512xf32, #tpu.memory_space<vmem>>, vector<1x1x512xf32>
    %get3A_269 = vector.shape_cast %get3A_268 : vector<1x1x512xf32> to vector<1x512xf32>
    %add3A_270 = arith.addf %add3A_264, %get3A_269 : vector<1x512xf32>
    %get3A_271 = arith.constant 13 : index
    %get3A_272 = arith.constant 0 : index
    %get3A_273 = arith.constant 0 : index
    %get3A_274 = vector.load %arg1[%get3A_271, %get3A_272, %get3A_273] : memref<32x1x512xf32, #tpu.memory_space<vmem>>, vector<1x1x512xf32>
    %get3A_275 = vector.shape_cast %get3A_274 : vector<1x1x512xf32> to vector<1x512xf32>
    %add3A_276 = arith.addf %add3A_270, %get3A_275 : vector<1x512xf32>
    %get3A_277 = arith.constant 14 : index
    %get3A_278 = arith.constant 0 : index
    %get3A_279 = arith.constant 0 : index
    %get3A_280 = vector.load %arg1[%get3A_277, %get3A_278, %get3A_279] : memref<32x1x512xf32, #tpu.memory_space<vmem>>, vector<1x1x512xf32>
    %get3A_281 = vector.shape_cast %get3A_280 : vector<1x1x512xf32> to vector<1x512xf32>
    %add3A_282 = arith.addf %add3A_276, %get3A_281 : vector<1x512xf32>
    %get3A_283 = arith.constant 15 : index
    %get3A_284 = arith.constant 0 : index
    %get3A_285 = arith.constant 0 : index
    %get3A_286 = vector.load %arg1[%get3A_283, %get3A_284, %get3A_285] : memref<32x1x512xf32, #tpu.memory_space<vmem>>, vector<1x1x512xf32>
    %get3A_287 = vector.shape_cast %get3A_286 : vector<1x1x512xf32> to vector<1x512xf32>
    %add3A_288 = arith.addf %add3A_282, %get3A_287 : vector<1x512xf32>
    %mul3A = arith.constant 5.000000e-01 : f32
    %mul3A_289 = vector.broadcast %mul3A : f32 to vector<1x512xf32>
    %mul3A_290 = arith.mulf %add3A_288, %mul3A_289 : vector<1x512xf32>
    %reshape3A = vector.shape_cast %mul3A_290 : vector<1x512xf32> to vector<512x1xf32>
    %get3A_291 = arith.constant 16 : index
    %get3A_292 = arith.constant 0 : index
    %get3A_293 = arith.constant 0 : index
    %get3A_294 = vector.load %arg1[%get3A_291, %get3A_292, %get3A_293] : memref<32x1x512xf32, #tpu.memory_space<vmem>>, vector<1x1x512xf32>
    %get3A_295 = vector.shape_cast %get3A_294 : vector<1x1x512xf32> to vector<1x512xf32>
    %get3A_296 = arith.constant 17 : index
    %get3A_297 = arith.constant 0 : index
    %get3A_298 = arith.constant 0 : index
    %get3A_299 = vector.load %arg1[%get3A_296, %get3A_297, %get3A_298] : memref<32x1x512xf32, #tpu.memory_space<vmem>>, vector<1x1x512xf32>
    %get3A_300 = vector.shape_cast %get3A_299 : vector<1x1x512xf32> to vector<1x512xf32>
    %add3A_301 = arith.addf %get3A_295, %get3A_300 : vector<1x512xf32>
    %get3A_302 = arith.constant 18 : index
    %get3A_303 = arith.constant 0 : index
    %get3A_304 = arith.constant 0 : index
    %get3A_305 = vector.load %arg1[%get3A_302, %get3A_303, %get3A_304] : memref<32x1x512xf32, #tpu.memory_space<vmem>>, vector<1x1x512xf32>
    %get3A_306 = vector.shape_cast %get3A_305 : vector<1x1x512xf32> to vector<1x512xf32>
    %add3A_307 = arith.addf %add3A_301, %get3A_306 : vector<1x512xf32>
    %get3A_308 = arith.constant 19 : index
    %get3A_309 = arith.constant 0 : index
    %get3A_310 = arith.constant 0 : index
    %get3A_311 = vector.load %arg1[%get3A_308, %get3A_309, %get3A_310] : memref<32x1x512xf32, #tpu.memory_space<vmem>>, vector<1x1x512xf32>
    %get3A_312 = vector.shape_cast %get3A_311 : vector<1x1x512xf32> to vector<1x512xf32>
    %add3A_313 = arith.addf %add3A_307, %get3A_312 : vector<1x512xf32>
    %get3A_314 = arith.constant 20 : index
    %get3A_315 = arith.constant 0 : index
    %get3A_316 = arith.constant 0 : index
    %get3A_317 = vector.load %arg1[%get3A_314, %get3A_315, %get3A_316] : memref<32x1x512xf32, #tpu.memory_space<vmem>>, vector<1x1x512xf32>
    %get3A_318 = vector.shape_cast %get3A_317 : vector<1x1x512xf32> to vector<1x512xf32>
    %add3A_319 = arith.addf %add3A_313, %get3A_318 : vector<1x512xf32>
    %get3A_320 = arith.constant 21 : index
    %get3A_321 = arith.constant 0 : index
    %get3A_322 = arith.constant 0 : index
    %get3A_323 = vector.load %arg1[%get3A_320, %get3A_321, %get3A_322] : memref<32x1x512xf32, #tpu.memory_space<vmem>>, vector<1x1x512xf32>
    %get3A_324 = vector.shape_cast %get3A_323 : vector<1x1x512xf32> to vector<1x512xf32>
    %add3A_325 = arith.addf %add3A_319, %get3A_324 : vector<1x512xf32>
    %get3A_326 = arith.constant 22 : index
    %get3A_327 = arith.constant 0 : index
    %get3A_328 = arith.constant 0 : index
    %get3A_329 = vector.load %arg1[%get3A_326, %get3A_327, %get3A_328] : memref<32x1x512xf32, #tpu.memory_space<vmem>>, vector<1x1x512xf32>
    %get3A_330 = vector.shape_cast %get3A_329 : vector<1x1x512xf32> to vector<1x512xf32>
    %add3A_331 = arith.addf %add3A_325, %get3A_330 : vector<1x512xf32>
    %get3A_332 = arith.constant 23 : index
    %get3A_333 = arith.constant 0 : index
    %get3A_334 = arith.constant 0 : index
    %get3A_335 = vector.load %arg1[%get3A_332, %get3A_333, %get3A_334] : memref<32x1x512xf32, #tpu.memory_space<vmem>>, vector<1x1x512xf32>
    %get3A_336 = vector.shape_cast %get3A_335 : vector<1x1x512xf32> to vector<1x512xf32>
    %add3A_337 = arith.addf %add3A_331, %get3A_336 : vector<1x512xf32>
    %get3A_338 = arith.constant 24 : index
    %get3A_339 = arith.constant 0 : index
    %get3A_340 = arith.constant 0 : index
    %get3A_341 = vector.load %arg1[%get3A_338, %get3A_339, %get3A_340] : memref<32x1x512xf32, #tpu.memory_space<vmem>>, vector<1x1x512xf32>
    %get3A_342 = vector.shape_cast %get3A_341 : vector<1x1x512xf32> to vector<1x512xf32>
    %add3A_343 = arith.addf %add3A_337, %get3A_342 : vector<1x512xf32>
    %get3A_344 = arith.constant 25 : index
    %get3A_345 = arith.constant 0 : index
    %get3A_346 = arith.constant 0 : index
    %get3A_347 = vector.load %arg1[%get3A_344, %get3A_345, %get3A_346] : memref<32x1x512xf32, #tpu.memory_space<vmem>>, vector<1x1x512xf32>
    %get3A_348 = vector.shape_cast %get3A_347 : vector<1x1x512xf32> to vector<1x512xf32>
    %add3A_349 = arith.addf %add3A_343, %get3A_348 : vector<1x512xf32>
    %get3A_350 = arith.constant 26 : index
    %get3A_351 = arith.constant 0 : index
    %get3A_352 = arith.constant 0 : index
    %get3A_353 = vector.load %arg1[%get3A_350, %get3A_351, %get3A_352] : memref<32x1x512xf32, #tpu.memory_space<vmem>>, vector<1x1x512xf32>
    %get3A_354 = vector.shape_cast %get3A_353 : vector<1x1x512xf32> to vector<1x512xf32>
    %add3A_355 = arith.addf %add3A_349, %get3A_354 : vector<1x512xf32>
    %get3A_356 = arith.constant 27 : index
    %get3A_357 = arith.constant 0 : index
    %get3A_358 = arith.constant 0 : index
    %get3A_359 = vector.load %arg1[%get3A_356, %get3A_357, %get3A_358] : memref<32x1x512xf32, #tpu.memory_space<vmem>>, vector<1x1x512xf32>
    %get3A_360 = vector.shape_cast %get3A_359 : vector<1x1x512xf32> to vector<1x512xf32>
    %add3A_361 = arith.addf %add3A_355, %get3A_360 : vector<1x512xf32>
    %get3A_362 = arith.constant 28 : index
    %get3A_363 = arith.constant 0 : index
    %get3A_364 = arith.constant 0 : index
    %get3A_365 = vector.load %arg1[%get3A_362, %get3A_363, %get3A_364] : memref<32x1x512xf32, #tpu.memory_space<vmem>>, vector<1x1x512xf32>
    %get3A_366 = vector.shape_cast %get3A_365 : vector<1x1x512xf32> to vector<1x512xf32>
    %add3A_367 = arith.addf %add3A_361, %get3A_366 : vector<1x512xf32>
    %get3A_368 = arith.constant 29 : index
    %get3A_369 = arith.constant 0 : index
    %get3A_370 = arith.constant 0 : index
    %get3A_371 = vector.load %arg1[%get3A_368, %get3A_369, %get3A_370] : memref<32x1x512xf32, #tpu.memory_space<vmem>>, vector<1x1x512xf32>
    %get3A_372 = vector.shape_cast %get3A_371 : vector<1x1x512xf32> to vector<1x512xf32>
    %add3A_373 = arith.addf %add3A_367, %get3A_372 : vector<1x512xf32>
    %get3A_374 = arith.constant 30 : index
    %get3A_375 = arith.constant 0 : index
    %get3A_376 = arith.constant 0 : index
    %get3A_377 = vector.load %arg1[%get3A_374, %get3A_375, %get3A_376] : memref<32x1x512xf32, #tpu.memory_space<vmem>>, vector<1x1x512xf32>
    %get3A_378 = vector.shape_cast %get3A_377 : vector<1x1x512xf32> to vector<1x512xf32>
    %add3A_379 = arith.addf %add3A_373, %get3A_378 : vector<1x512xf32>
    %get3A_380 = arith.constant 31 : index
    %get3A_381 = arith.constant 0 : index
    %get3A_382 = arith.constant 0 : index
    %get3A_383 = vector.load %arg1[%get3A_380, %get3A_381, %get3A_382] : memref<32x1x512xf32, #tpu.memory_space<vmem>>, vector<1x1x512xf32>
    %get3A_384 = vector.shape_cast %get3A_383 : vector<1x1x512xf32> to vector<1x512xf32>
    %add3A_385 = arith.addf %add3A_379, %get3A_384 : vector<1x512xf32>
    %mul3A_386 = arith.constant 5.000000e-01 : f32
    %mul3A_387 = vector.broadcast %mul3A_386 : f32 to vector<1x512xf32>
    %mul3A_388 = arith.mulf %add3A_385, %mul3A_387 : vector<1x512xf32>
    %reshape3A_389 = vector.shape_cast %mul3A_388 : vector<1x512xf32> to vector<512x1xf32>
    %get3A_390 = arith.constant 0 : index
    %get3A_391 = arith.constant 0 : index
    %get3A_392 = vector.load %arg4[%get3A_390, %get3A_391] : memref<512x1xf32, #tpu.memory_space<vmem>>, vector<512x1xf32>
    %reduce_max3A = vector.shape_cast %get3A_392 : vector<512x1xf32> to vector<1x512x1xf32>
    %reduce_max3A_393 = arith.constant dense<0xFF800000> : vector<1xf32>
    %reduce_max3A_394 = vector.multi_reduction <maximumf>, %reduce_max3A, %reduce_max3A_393 [1, 2] : vector<1x512x1xf32> to vector<1xf32>
    %reduce_max3A_395 = vector.shape_cast %reduce_max3A_394 : vector<1xf32> to vector<1x1x1xf32>
    %reduce_max3A_396 = vector.extract %reduce_max3A_395[0, 0, 0] : f32 from vector<1x1x1xf32>
    %ge3A = arith.constant 5.120000e+05 : f32
    %ge3A_397 = arith.cmpf oge, %reduce_max3A_396, %ge3A : f32
    %broadcast_in_dim3A = arith.constant 1.000000e+00 : f32
    %broadcast_in_dim3A_398 = vector.broadcast %broadcast_in_dim3A : f32 to vector<512x1xf32>
    %get3A_399 = arith.constant 0 : index
    %get3A_400 = arith.constant 0 : index
    %get3A_401 = vector.load %arg4[%get3A_399, %get3A_400] : memref<512x1xf32, #tpu.memory_space<vmem>>, vector<512x1xf32>
    %select_n3A = arith.select %ge3A_397, %broadcast_in_dim3A_398, %get3A_401 : vector<512x1xf32>
    %get3A_402 = arith.constant 0 : index
    %get3A_403 = arith.constant 0 : index
    %get3A_404 = vector.load %arg5[%get3A_402, %get3A_403] : memref<512x1xf32, #tpu.memory_space<vmem>>, vector<512x1xf32>
    %max3A = arith.constant 1.000000e+00 : f32
    %max3A_405 = vector.broadcast %max3A : f32 to vector<512x1xf32>
    %max3A_406 = arith.maximumf %reshape3A, %max3A_405 : vector<512x1xf32>
    %div3A = vector.broadcast %max3A_406 : vector<512x1xf32> to vector<512x256xf32>
    %div3A_407 = arith.divf %concatenate3A, %div3A : vector<512x256xf32>
    %gt3A = arith.constant 5.000000e+00 : f32
    %gt3A_408 = vector.broadcast %gt3A : f32 to vector<512x1xf32>
    %gt3A_409 = arith.cmpf ogt, %reshape3A, %gt3A_408 : vector<512x1xf32>
    %mul3A_410 = vector.broadcast %select_n3A : vector<512x1xf32> to vector<512x256xf32>
    %mul3A_411 = arith.mulf %transpose3A, %mul3A_410 : vector<512x256xf32>
    %mul3A_412 = vector.broadcast %reshape3A : vector<512x1xf32> to vector<512x256xf32>
    %mul3A_413 = arith.mulf %div3A_407, %mul3A_412 : vector<512x256xf32>
    %add3A_414 = arith.addf %mul3A_411, %mul3A_413 : vector<512x256xf32>
    %add3A_415 = arith.addf %select_n3A, %reshape3A : vector<512x1xf32>
    %div3A_416 = vector.broadcast %add3A_415 : vector<512x1xf32> to vector<512x256xf32>
    %div3A_417 = arith.divf %add3A_414, %div3A_416 : vector<512x256xf32>
    %broadcast_in_dim3A_418 = vector.shape_cast %gt3A_409 : vector<512x1xi1> to vector<512x1xi1>
    %broadcast_in_dim3A_419 = vector.broadcast %broadcast_in_dim3A_418 : vector<512x1xi1> to vector<512x256xi1>
    %select_n3A_420 = arith.select %broadcast_in_dim3A_419, %div3A_417, %transpose3A : vector<512x256xi1>, vector<512x256xf32>
    %max3A_421 = arith.constant 1.000000e+00 : f32
    %max3A_422 = vector.broadcast %max3A_421 : f32 to vector<512x1xf32>
    %max3A_423 = arith.maximumf %reshape3A_389, %max3A_422 : vector<512x1xf32>
    %div3A_424 = vector.broadcast %max3A_423 : vector<512x1xf32> to vector<512x256xf32>
    %div3A_425 = arith.divf %concatenate3A_193, %div3A_424 : vector<512x256xf32>
    %gt3A_426 = arith.constant 5.000000e+00 : f32
    %gt3A_427 = vector.broadcast %gt3A_426 : f32 to vector<512x1xf32>
    %gt3A_428 = arith.cmpf ogt, %reshape3A_389, %gt3A_427 : vector<512x1xf32>
    %mul3A_429 = vector.broadcast %get3A_404 : vector<512x1xf32> to vector<512x256xf32>
    %mul3A_430 = arith.mulf %transpose3A_5, %mul3A_429 : vector<512x256xf32>
    %mul3A_431 = vector.broadcast %reshape3A_389 : vector<512x1xf32> to vector<512x256xf32>
    %mul3A_432 = arith.mulf %div3A_425, %mul3A_431 : vector<512x256xf32>
    %add3A_433 = arith.addf %mul3A_430, %mul3A_432 : vector<512x256xf32>
    %add3A_434 = arith.addf %get3A_404, %reshape3A_389 : vector<512x1xf32>
    %div3A_435 = vector.broadcast %add3A_434 : vector<512x1xf32> to vector<512x256xf32>
    %div3A_436 = arith.divf %add3A_433, %div3A_435 : vector<512x256xf32>
    %broadcast_in_dim3A_437 = vector.shape_cast %gt3A_428 : vector<512x1xi1> to vector<512x1xi1>
    %broadcast_in_dim3A_438 = vector.broadcast %broadcast_in_dim3A_437 : vector<512x1xi1> to vector<512x256xi1>
    %select_n3A_439 = arith.select %broadcast_in_dim3A_438, %div3A_436, %transpose3A_5 : vector<512x256xi1>, vector<512x256xf32>
    %sub3A = arith.subf %select_n3A_420, %select_n3A_439 : vector<512x256xf32>
    %integer_pow3A = arith.mulf %sub3A, %sub3A : vector<512x256xf32>
    %reduce_sum3A = vector.shape_cast %integer_pow3A : vector<512x256xf32> to vector<1x512x256xf32>
    %reduce_sum3A_440 = arith.constant dense<0.000000e+00> : vector<1xf32>
    %reduce_sum3A_441 = vector.multi_reduction <add>, %reduce_sum3A, %reduce_sum3A_440 [1, 2] : vector<1x512x256xf32> to vector<1xf32>
    %reduce_sum3A_442 = vector.shape_cast %reduce_sum3A_441 : vector<1xf32> to vector<1x1x1xf32>
    %reduce_sum3A_443 = vector.extract %reduce_sum3A_442[0, 0, 0] : f32 from vector<1x1x1xf32>
    %div3A_444 = arith.constant 1.310720e+05 : f32
    %div3A_445 = arith.divf %reduce_sum3A_443, %div3A_444 : f32
    %add3A_446 = arith.addf %select_n3A, %reshape3A : vector<512x1xf32>
    %select_n3A_447 = arith.select %gt3A_409, %add3A_446, %select_n3A : vector<512x1xi1>, vector<512x1xf32>
    %reduce_sum3A_448 = vector.shape_cast %select_n3A_447 : vector<512x1xf32> to vector<1x512x1xf32>
    %reduce_sum3A_449 = arith.constant dense<0.000000e+00> : vector<1xf32>
    %reduce_sum3A_450 = vector.multi_reduction <add>, %reduce_sum3A_448, %reduce_sum3A_449 [1, 2] : vector<1x512x1xf32> to vector<1xf32>
    %reduce_sum3A_451 = vector.shape_cast %reduce_sum3A_450 : vector<1xf32> to vector<1x1x1xf32>
    %reduce_sum3A_452 = vector.extract %reduce_sum3A_451[0, 0, 0] : f32 from vector<1x1x1xf32>
    %div3A_453 = vector.broadcast %reduce_sum3A_452 : f32 to vector<512x1xf32>
    %div3A_454 = arith.divf %select_n3A_447, %div3A_453 : vector<512x1xf32>
    %gt3A_455 = arith.constant 0.000000e+00 : f32
    %gt3A_456 = vector.broadcast %gt3A_455 : f32 to vector<512x1xf32>
    %gt3A_457 = arith.cmpf ogt, %div3A_454, %gt3A_456 : vector<512x1xf32>
    %log3A = math.log %div3A_454 : vector<512x1xf32>
    %get3A_458 = arith.constant 0 : index
    %get3A_459 = arith.constant 0 : index
    %get3A_460 = vector.load %arg6[%get3A_458, %get3A_459] : memref<512x1xf32, #tpu.memory_space<vmem>>, vector<512x1xf32>
    %log3A_461 = math.log %get3A_460 : vector<512x1xf32>
    %sub3A_462 = arith.subf %log3A, %log3A_461 : vector<512x1xf32>
    %mul3A_463 = arith.mulf %div3A_454, %sub3A_462 : vector<512x1xf32>
    %jit3A = arith.constant 0.000000e+00 : f32
    %broadcast_in_dim3A_464 = vector.broadcast %jit3A : f32 to vector<512x1xf32>
    %select_n3A_465 = arith.select %gt3A_457, %mul3A_463, %broadcast_in_dim3A_464 : vector<512x1xi1>, vector<512x1xf32>
    %reduce_sum3A_466 = vector.shape_cast %select_n3A_465 : vector<512x1xf32> to vector<1x512x1xf32>
    %reduce_sum3A_467 = arith.constant dense<0.000000e+00> : vector<1xf32>
    %reduce_sum3A_468 = vector.multi_reduction <add>, %reduce_sum3A_466, %reduce_sum3A_467 [1, 2] : vector<1x512x1xf32> to vector<1xf32>
    %reduce_sum3A_469 = vector.shape_cast %reduce_sum3A_468 : vector<1xf32> to vector<1x1x1xf32>
    %reduce_sum3A_470 = vector.extract %reduce_sum3A_469[0, 0, 0] : f32 from vector<1x1x1xf32>
    %div3A_471 = arith.constant 5.120000e+02 : f32
    %div3A_472 = arith.divf %reduce_sum3A_470, %div3A_471 : f32
    %add3A_473 = arith.addf %div3A_445, %div3A_472 : f32
    %reshape3A_474 = vector.broadcast %add3A_473 : f32 to vector<1x1xf32>
    %swap3A = arith.constant 0 : index
    %swap3A_475 = arith.constant 0 : index
    %swap3A_476 = vector.load %arg7[%swap3A, %swap3A_475] : memref<1x1xf32, #tpu.memory_space<vmem>>, vector<1x1xf32>
    tpu.vector_store %arg7[%swap3A, %swap3A_475], %reshape3A_474 {strides = array<i32>} : memref<1x1xf32, #tpu.memory_space<vmem>>, vector<1x1xf32>,
    return
  }
}

</mosaic_0001>

<sc_bundles>
// kernel: _run.4.cloned.1.call-start
scs
__scs_entry_jumppad:
0x0: {  	(pc) =	sbr.rel $0x88, $3  }
0x1: {  	(tag) =	ssettag $0x0;
	lr =	simm.s32 $0x1  }
0x2: {  	[smem:$0x3F98] =	sst lr;
	_ =	strace $0xD0000000  }
0x3: {  	_ = 	snop  }
0x4: {  	_ = 	snop  }
0x5: {  	_ = 	snop  }
0x6: {  	_ = 	snop  }
0x7: {  	_ = 	snop  }
__scs_overlays_trampoline_lowered:
0x8: {  	[smem:$0x3FA7] =	sst s0  }
0x9: {  	[smem:$0x3FA8] =	sst s1  }
0xa: {  	[smem:$0x3FA9] =	sst s2  }
0xb: {  	[smem:$0x3FAA] =	sst s3  }
0xc: {  	[smem:$0x3FAB] =	sst s4  }
0xd: {  	[smem:$0x3FAC] =	sst s5  }
0xe: {  	[smem:$0x3FAD] =	sst s6  }
0xf: {  	[smem:$0x3FAE] =	sst s7  }
0x10: {  	[smem:$0x3FAF] =	sst s8  }
0x11: {  	[smem:$0x3FB0] =	sst s9;
	s0 =	simm.s32 @!p0 $0x0  }
0x12: {  	s1 =	sld [smem:$0x3F96];
	s0 =	simm.s32 @p0 $0x1  }
0x13: {  	[smem:$0x3FB1] =	sst s0;
	s0 =	simm.s32 @!p1 $0x0  }
0x14: {  	s2 =	sld [smem:$0x3F95];
	s0 =	simm.s32 @p1 $0x1  }
0x15: {  	[smem:$0x3FB2] =	sst s0;
	s0 =	simm.s32 @!p2 $0x0  }
0x16: {  	s3 =	sld [smem:$0x3FDB];
	s0 =	simm.s32 @p2 $0x1  }
0x17: {  	s4 =	simm.s32 $0x1BF5;
	[smem:$0x3FB4] =	sst s0  }
0x18: {  	s0 =	sld [smem:$0x3F97];
	_ =	swait.ge [sflag:s4], $0x0  }
0x19: {  	s7 =	sld [smem:$0x3F98]  }
0x1a: {  	s8 =	sadd.s32 $0xFFFFE003, lr  }
0x1b: {  	s9 =	sadd.s32 $0xFFFFFEF7, lr;
	s5 =	simm.s32 $0xFFFFFFFF;
	p2 =	slt.u32 s8, $0xFFFFF086  }
0x1c: {  	p1 =	slt.u32 s9, $0xF7A;
	s5 =	simm.s32 @!p2 $0x0  }
0x1d: {  	s5 =	simm.s32 @p1 $0x1;
	p0 =	seq.s32 s7, s2  }
0x1e: {  	s7 =	smul.u32 @!p0 $0xF7A, s2;
	p2 =	seq.s32 @!p0 s5, $0x0  }
0x1f: {  	s9 =	smul.u32 $0xF7A, s1;
	s8 =	simm.s32 @!p0 $0x1BF5;
	p2 =	por !p2, p0  }
0x20: {  	[sflag:s8] =	ssyncset.s32 @!p0 $0xFFFFF086;
	s6 =	sadd.s32 @!p0 s3, s7;
	s7 =	simm.s32 @!p0 $0x108  }
0x21: {  	s3 =	sadd.s32 s3, s9;
	s6 =	sadd.s32 @!p0 $0x88, s6;
	s7 =	simm.s32 @p2 $0x1082  }
0x22: {  	[simem:s7], [sflag:s8] =	dma.local @!p0 [hbm:s6], $0xF7A  }
0x23: {  	s9 =	sor.u32 $0xD0000000, s2;
	s6 =	simm.s32 $0x108;
	_ =	swait.ge @!p0 [sflag:s8], $0x0  }
0x24: {  	s3 =	sadd.s32 $0x88, s3;
	s6 =	simm.s32 @!p1 $0x1082;
	[sflag:s4] =	ssyncset.s32 $0xFFFFF086  }
0x25: {  	[simem:s6], [sflag:s4] =	dma.local [hbm:s3], $0xF7A  }
0x26: {  	[smem:$0x3F98] =	sst s1;
	(tag) =	ssettag s2;
	_ =	strace s9  }
0x27: {  	s1 =	sld [smem:$0x3FA8]  }
0x28: {  	s2 =	sld [smem:$0x3FA9]  }
0x29: {  	s4 =	sld [smem:$0x3FAB]  }
0x2a: {  	p0 =	seq.s32 s5, $0x0;
	s5 =	sld [smem:$0x3FAC]  }
0x2b: {  	s6 =	sld [smem:$0x3FAD]  }
0x2c: {  	s7 =	sld [smem:$0x3FAE]  }
0x2d: {  	s3 =	simm.s32 $0x108;
	s8 =	sld [smem:$0x3FAF]  }
0x2e: {  	s3 =	simm.s32 @!p0 $0x1082;
	s9 =	sld [smem:$0x3FB0]  }
0x2f: {  	lr =	sadd.s32 s0, s3;
	s0 =	sld [smem:$0x3FA7]  }
0x30: {  	s3 =	sld [smem:$0x3FAA]  }
0x31: {  	[smem:$0x3FB3] =	sst s10  }
0x32: {  	s10 =	sld [smem:$0x3FB1];
	_ =	sdelay $0x3  }
0x33: {  	p0 =	seq.s32 s10, $0x1;
	s10 =	sld [smem:$0x3FB3];
	_ =	sdelay $0x3  }
0x34: {  	[smem:$0x3FB3] =	sst s10  }
0x35: {  	s10 =	sld [smem:$0x3FB2];
	_ =	sdelay $0x3  }
0x36: {  	p1 =	seq.s32 s10, $0x1;
	s10 =	sld [smem:$0x3FB3];
	_ =	sdelay $0x3  }
0x37: {  	[smem:$0x3FB3] =	sst s10  }
0x38: {  	s10 =	sld [smem:$0x3FB4]  }
0x39: {  	_ = 	snop;
	(pc) =	sbr.ind lr, $3  }
0x3a: {  	_ = 	snop  }
0x3b: {  	_ = 	snop  }
0x3c: {  	p2 =	seq.s32 s10, $0x1;
	s10 =	sld [smem:$0x3FB3]  }
0x3d: {  	_ =	shalt  }
0x3e: {  	_ =	shalt  }
0x3f: {  	_ =	shalt  }
0x40: {  	_ =	shalt  }
0x41: {  	_ =	shalt  }
0x42: {  	_ =	shalt  }
0x43: {  	_ =	shalt  }
0x44: {  	_ =	shalt  }
0x45: {  	_ =	shalt  }
0x46: {  	_ =	shalt  }
0x47: {  	_ =	shalt  }
0x48: {  	_ =	shalt  }
0x49: {  	_ =	shalt  }
0x4a: {  	_ =	shalt  }
0x4b: {  	_ =	shalt  }
0x4c: {  	_ =	shalt  }
0x4d: {  	_ =	shalt  }
0x4e: {  	_ =	shalt  }
0x4f: {  	_ =	shalt  }
0x50: {  	_ =	shalt  }
0x51: {  	_ =	shalt  }
0x52: {  	_ =	shalt  }
0x53: {  	_ =	shalt  }
0x54: {  	_ =	shalt  }
0x55: {  	_ =	shalt  }
0x56: {  	_ =	shalt  }
0x57: {  	_ =	shalt  }
0x58: {  	_ =	shalt  }
0x59: {  	_ =	shalt  }
0x5a: {  	_ =	shalt  }
0x5b: {  	_ =	shalt  }
0x5c: {  	_ =	shalt  }
0x5d: {  	_ =	shalt  }
0x5e: {  	_ =	shalt  }
0x5f: {  	_ =	shalt  }
0x60: {  	_ =	shalt  }
0x61: {  	_ =	shalt  }
0x62: {  	_ =	shalt  }
0x63: {  	_ =	shalt  }
0x64: {  	_ =	shalt  }
0x65: {  	_ =	shalt  }
0x66: {  	_ =	shalt  }
0x67: {  	_ =	shalt  }
0x68: {  	_ =	shalt  }
0x69: {  	_ =	shalt  }
0x6a: {  	_ =	shalt  }
0x6b: {  	_ =	shalt  }
0x6c: {  	_ =	shalt  }
0x6d: {  	_ =	shalt  }
0x6e: {  	_ =	shalt  }
0x6f: {  	_ =	shalt  }
0x70: {  	_ =	shalt  }
0x71: {  	_ =	shalt  }
0x72: {  	_ =	shalt  }
0x73: {  	_ =	shalt  }
0x74: {  	_ =	shalt  }
0x75: {  	_ =	shalt  }
0x76: {  	_ =	shalt  }
0x77: {  	_ =	shalt  }
0x78: {  	_ =	shalt  }
0x79: {  	_ =	shalt  }
0x7a: {  	_ =	shalt  }
0x7b: {  	_ =	shalt  }
0x7c: {  	_ =	shalt  }
0x7d: {  	_ =	shalt  }
0x7e: {  	_ =	shalt  }
0x7f: {  	_ =	shalt  }
0x80: {  	_ =	shalt  }
0x81: {  	_ =	shalt  }
0x82: {  	_ =	shalt  }
0x83: {  	_ =	shalt  }
0x84: {  	_ =	shalt  }
0x85: {  	_ =	shalt  }
0x86: {  	_ =	shalt  }
0x87: {  	_ =	shalt  }
.Lfunc_end0:
.L_simem_size_0:
called_computation_lowered:
.L_overlay_start_0:
0x88: {  	s2 =	sld [smem:$0x3FD9]  }
0x89: {  	s3 =	sld [smem:$0x3FFE];
	_ =	sdelay $0x1  }
0x8a: {  	s1 =	srdreg.scid  }
0x8b: {  	s0 =	sand.u32 $0x1, s1  }
0x8c: {  	s17 =	sshll.u32 s0, $0xA;
	s2 =	sadd.s32 s3, s2  }
0x8d: {  	s2 =	sadd.s32 s2, s17  }
0x8e: {  	[smem:$0x3FBF] =	sst s2  }
0x8f: {  	_ = 	snop  }
0x90: {  	s2 =	sld [smem:$0x3FC9]  }
0x91: {  	s18 =	sld [smem:$0x3FC8]  }
0x92: {  	s4 =	sld [smem:$0x3FC7]  }
0x93: {  	s5 =	sld [smem:$0x3FC6];
	(tm) =	ssettm $0x1  }
0x94: {  	s6 =	sld [smem:$0x3FFB];
	_ =	sdelay $0x3  }
0x95: {  	_ =	strace s6  }
0x96: {  	s6 =	sld [smem:$0x3FFC];
	_ =	sdelay $0x3  }
0x97: {  	_ =	strace s6  }
0x98: {  	s6 =	sld [smem:$0x3FFD];
	_ =	sdelay $0x3  }
0x99: {  	_ =	strace s6  }
0x9a: {  	_ =	strace $0x8FFFFFFF  }
0x9b: {  	s19 =	sld [smem:$0x3FDB];
	_ =	sdelay $0x1  }
0x9c: {  	s7 =	simm.s32 $_scs_section_size  }
0x9d: {  	s8 =	simm.s32 $_size__tile_overlayer_lowered;
	s9 =	simm.s32 $_tile_overlayer_lowered  }
0x9e: {  	s22 =	simm.s32 $0x1BFF;
	s21 =	sshll.u32 s9, $0x1;
	s6 =	sadd.s32 s7, s19  }
0x9f: {  	s10 =	simm.s32 $0x0;
	s20 =	sshll.u32 s8, $0x1;
	s8 =	sadd.s32 s21, s6  }
0xa0: {  	[timem:s10], [sflag:s22] =	dma.local [hbm:s8], s20  }
0xa1: {  	_ =	swait.ge [sflag:s22], s20  }
0xa2: {  	s7 =	ssub.s32 $0x0, s20;
	[sflag:s22] =	ssyncset.done $0x0  }
0xa3: {  	[sflag:s22] =	ssyncadd.s32 s7;
	_ =	sdelay $0x1  }
0xa4: {  	s23 =	simm.s32 $0x1B8B  }
0xa5: {  	_ =	swait.ge [sflag:s23], $0x1  }
0xa6: {  	[sflag:s23] =	ssyncset.done $0x0  }
0xa7: {  	s25 =	simm.s32 $0x1B8E;
	s24 =	sld [smem:$0x3FFE];
	[sflag:s23] =	ssyncadd.s32 $0xFFFFFFFF  }
0xa8: {  	s26 =	simm.s32 $execute0_lowered;
	[smem:$0x3FD2] =	sst s25  }
0xa9: {  	s8 =	sshll.u32 s26, $0x1;
	_ =	strace $0x80000046;
	[dreg:$0x1] =	wrdreg $0xFFFFFFFF  }
0xaa: {  	s28 =	simm.s32 $_size_execute0_lowered;
	s6 =	sadd.s32 s6, s8;
	[dreg:$0x0] =	wrdreg $0x0  }
0xab: {  	s8 =	sshll.u32 s28, $0x1;
	[dreg:$0x2] =	wrdreg s6  }
0xac: {  	[dreg:$0x3] =	wrdreg s8  }
0xad: {  	[dreg:$0x4] =	wrdreg $0xC0  }
0xae: {  	_ =	task [dreg:s10], $0x5FFFF  }
0xaf: {  	[dreg:$0x1] =	wrdreg $0xFFFFFFFF  }
0xb0: {  	[dreg:$0x0] =	wrdreg $0x60  }
0xb1: {  	[dreg:$0x2] =	wrdreg s2  }
0xb2: {  	[dreg:$0x3] =	wrdreg s18  }
0xb3: {  	[dreg:$0x4] =	wrdreg s4  }
0xb4: {  	[dreg:$0x5] =	wrdreg s5  }
0xb5: {  	[dreg:$0x6] =	wrdreg s24  }
0xb6: {  	[dreg:$0x7] =	wrdreg $0x9  }
0xb7: {  	_ =	task.clear_ibuf [dreg:s10], $0x8FFFF;
	_ =	strace $0x90000046  }
0xb8: {  	s29 =	simm.s32 $0x9;
	_ =	strace $0x80000048  }
0xb9: {  	_ =	swait.ge [sflag:s29], $0x1  }
0xba: {  	[sflag:s29] =	ssyncadd.s32 $0xFFFFFFFF  }
0xbb: {  	_ =	strace $0x90000048  }
0xbc: {  	_ =	sfence  }
0xbd: {  	s30 =	sld [smem:$0x0];
	_ =	sdelay $0x2  }
0xbe: {  	s31 =	sshll.u32 s1, $0xD;
	s1 =	sshrl.u32 s1, $0x2  }
0xbf: {  	s3 =	sand.u32 $0x4000, s31;
	s1 =	sadd.s32 s1, s30  }
0xc0: {  	s0 =	sor.u32 s3, s0;
	s1 =	sshll.u32 s1, $0x11  }
0xc1: {  	s0 =	sor.u32 s1, s0  }
0xc2: {  	s0 =	sadd.s32 $0x8F2B, s0  }
0xc3: {  	[sflag:s0] =	ssyncadd.remote.s32 $0x1  }
0xc4: {  	_ =	sfence.sel $0xFFFF  }
0xc5: {  	[dreg:$0x0] =	wrdreg $0xFFFFFFFF;
	(pc) =	sbr.abs _section_cstart, $3  }
0xc6: {  	[dreg:$0x1] =	wrdreg $0xFFFFFFFF  }
0xc7: {  	_ =	task.clear_ibuf [dreg:s10], $0x2FFFF;
	_ =	strace $0x9FFFFFFF  }
0xc8: {  	(tm) =	ssettm $0x7FFFFFFF  }
0xc9: {  	_ =	shalt  }
tec
execute0_lowered:
.L_overlay_start_1:
0x0: {  	(tag) =	ssettag $0x1  }
0x1: {  	s1 =	rddreg [dreg:$0x0]  }
0x2: {  	s0 =	rddreg [dreg:$0x1]  }
0x3: {  	s2 =	rddreg [dreg:$0x2]  }
0x4: {  	s12 =	rddreg [dreg:$0x3]  }
0x5: {  	s4 =	rddreg [dreg:$0x4];
	s3 =	simm.s32 $0x0;
	s5 =	srdreg.scid  }
0x6: {  	s28 =	stileid.u32;
	s16 =	simm.s32 $0x3;
	s17 =	simm.s32 $0x400  }
0x7: {  	s18 =	simm.s32 $0x800;
	s20 =	simm.s32 $0x14000;
	s21 =	simm.s32 $0x1  }
0x8: {  	s22 =	simm.s32 $0x18800;
	s23 =	simm.s32 $0x2;
	s24 =	simm.s32 $0x0  }
0x9: {  	[smem:$0x7FF] =	sst s3;
	s9 =	sand.u32 $0x1, s5;
	s5 =	sadd.s32 $0x1600, s4  }
0xa: {  	s6 =	sadd.s32 $0x41600, s4;
	s29 =	sshrl.u32 s28, $0x1;
	s30 =	sshll.u32 s28, $0xA  }
0xb: {  	_ =	strace $0x80000047;
	s7 =	ssub.s32 $0x2, s9;
	s10 =	sshll.u32 s9, $0x4  }
0xc: {  	s11 =	sand.u32 $0x400, s30;
	s13 =	sshll.u32 s29, $0x13;
	s15 =	sshll.u32 s29, $0x8  }
.Ltmp0:
0xd: {  	p0 =	seq.s32 s9, $0x1;
	s8 =	sshrl.u32 s7, $0x1;
	(pc) =	sbr.rel .LBB2_1-.Ltmp0, $4  }
0xe: {  	v0 =	vlaneseq.u32;
	s0 =	sadd.s32 s0, s15;
	s12 =	sadd.s32 s12, s15;
	s15 =	simm.s32 $0x18000  }
0xf: {  	v1 =	vimm.f32 $0.0e+00;
	v9 =	vimm.f32 $1.000000000e+00;
	v2 =	vor.u32 $0x10, v0;
	s14 =	ssub.s32 s7, s8;
	s7 =	sor.u32 s28, s10;
	s8 =	sor.u32 s11, s13  }
0x10: {  	v3 =	vor.u32 $0x20, v0;
	v4 =	vor.u32 $0x30, v0;
	v5 =	vor.u32 $0x40, v0;
	[dreg:$0x6] =	wrdreg s0;
	s31 =	sshrl.u32 s8, $0x3;
	s11 =	sor.u32 $0x10000, s8  }
0x11: {  	v6 =	vor.u32 $0x50, v0;
	v7 =	vor.u32 $0x60, v0;
	v8 =	vor.u32 $0x70, v0;
	s14 =	smax.u32 s14, $0x1;
	s10 =	sadd.s32 s1, s31;
	s13 =	sadd.s32 s2, s31  }
.LBB2_20:
0x12: {  	s4 =	sshll.u32 s0, $0xD  }
0x13: {  	s4 =	sadd.s32 s5, s4  }
0x14: {  	[hbm4b:s4+s3] =	stream.linear.scatter [tilespmem:s3], [sflag:$0x3], $0x10000, $0x38;
	[tilespmem:$0x18A00] =	vst v63  }
0x15: {  	s24 =	sadd.s32 $0x1, s24;
	_ =	swait.ge [sflag:s16], $0x10000  }
0x16: {  	s31 =	sshll.u32 s0, $0x6;
	p1 =	sne.s32 s24, s14;
	[sflag:s16] =	ssyncset.done $0x0  }
.Ltmp1:
0x17: {  	s0 =	sadd.s32 s6, s31;
	[sflag:s16] =	ssyncadd.s32 $0xFFFF0000;
	(pc) =	sbr.rel @!p1 .LBB2_21-.Ltmp1, $4  }
0x18: {  	[hbm4b:s0+s3] =	stream.linear.scatter [tilespmem:s22], [sflag:$0x3], $0x200, $0x38;
	[tilespmem:$0x18A00] =	vst v63  }
0x19: {  	_ =	swait.ge [sflag:s16], $0x200  }
0x1a: {  	[sflag:s16] =	ssyncset.done $0x0  }
0x1b: {  	[sflag:s16] =	ssyncadd.s32 $0xFFFFFE00  }
.LBB2_1:
0x1c: {  	s25 =	simm.s32 $0x80  }
0x1d: {  	[tilespmem:s25+$0xFFFFFF80] =	vst v1  }
0x1e: {  	[tilespmem:s25+$0x70] =	vst v1  }
0x1f: {  	[tilespmem:s25+$0x60] =	vst v1  }
0x20: {  	[tilespmem:s25+$0x50] =	vst v1  }
0x21: {  	[tilespmem:s25+$0x40] =	vst v1  }
0x22: {  	[tilespmem:s25+$0x30] =	vst v1  }
0x23: {  	[tilespmem:s25+$0x20] =	vst v1  }
0x24: {  	[tilespmem:s25+$0x10] =	vst v1  }
0x25: {  	[tilespmem:s25+$0x0] =	vst v1  }
0x26: {  	[tilespmem:s25+$0xFFFFFFF0] =	vst v1  }
0x27: {  	[tilespmem:s25+$0xFFFFFFE0] =	vst v1  }
0x28: {  	[tilespmem:s25+$0xFFFFFFD0] =	vst v1  }
0x29: {  	[tilespmem:s25+$0xFFFFFFC0] =	vst v1  }
0x2a: {  	[tilespmem:s25+$0xFFFFFFB0] =	vst v1  }
0x2b: {  	s28 =	simm.s32 $0x0;
	[tilespmem:s25+$0xFFFFFFA0] =	vst v1  }
.LBB2_2:
0x2c: {  	s28 =	sadd.s32 $0x2, s28;
	[tilespmem:s25+$0xFFFFFF90] =	vst v1;
	s25 =	sadd.s32 $0x100, s25;
	s26 =	simm.s32 $0x18810  }
0x2d: {  	[tilespmem:s25+$0xFFFFFF80] =	vst v1;
	p1 =	slt.u32 s28, $0x1FE  }
0x2e: {  	[tilespmem:s25+$0x70] =	vst v1  }
0x2f: {  	[tilespmem:s25+$0x60] =	vst v1  }
0x30: {  	[tilespmem:s25+$0x50] =	vst v1  }
0x31: {  	[tilespmem:s25+$0x40] =	vst v1  }
0x32: {  	[tilespmem:s25+$0x30] =	vst v1  }
0x33: {  	[tilespmem:s25+$0x20] =	vst v1  }
0x34: {  	[tilespmem:s25+$0x10] =	vst v1  }
0x35: {  	[tilespmem:s25+$0x0] =	vst v1  }
0x36: {  	[tilespmem:s25+$0xFFFFFFF0] =	vst v1  }
.Ltmp2:
0x37: {  	[tilespmem:s25+$0xFFFFFFE0] =	vst v1;
	(pc) =	sbr.rel @p1 .LBB2_2-.Ltmp2, $4  }
0x38: {  	[tilespmem:s25+$0xFFFFFFD0] =	vst v1  }
0x39: {  	[tilespmem:s25+$0xFFFFFFC0] =	vst v1  }
0x3a: {  	[tilespmem:s25+$0xFFFFFFB0] =	vst v1  }
0x3b: {  	[tilespmem:s25+$0xFFFFFFA0] =	vst v1  }
0x3c: {  	[tilespmem:s25+$0xFFFFFF90] =	vst v1  }
0x3d: {  	s0 =	simm.s32 $0x0;
	[tilespmem:s26+$0xFFFFFFF0] =	vst v1  }
.LBB2_4:
0x3e: {  	s0 =	sadd.s32 $0x2, s0  }
0x3f: {  	p1 =	slt.u32 s0, $0x1E  }
.Ltmp3:
0x40: {  	_ = 	snop;
	(pc) =	sbr.rel @p1 .LBB2_4-.Ltmp3, $3  }
0x41: {  	_ =	sdelay $0x1  }
0x42: {  	[tilespmem:s26+$0x0] =	vst v1;
	s26 =	sadd.s32 $0x20, s26  }
0x43: {  	[tilespmem:s26+$0xFFFFFFF0] =	vst v1  }
.Ltmp4:
0x44: {  	(pc) =	sbr.rel @!p0 .LBB2_6-.Ltmp4, $2  }
0x45: {  	_ =	sdelay $0x2  }
0x46: {  	[tilespmem:s26+$0x0] =	vst v1;
	s25 =	simm.s32 $0x0  }
0x47: {  	[tilespmem:s15], [sflag:$0x3] =	stream.linear.gather [hbm4b:s12+s25], $0x800, $0x38;
	[tilespmem:$0x18A00] =	vst v63  }
0x48: {  	_ =	swait.ge [sflag:s16], $0x800  }
0x49: {  	[sflag:s16] =	ssyncset.done $0x0  }
0x4a: {  	s0 =	simm.s32 $0x10000;
	[sflag:s16] =	ssyncadd.s32 $0xFFFFF800  }
0x4b: {  	[tilespmem:s0], [sflag:$0x1] =	stream.strided.gather [hbm4b:s13+s17], $0x4000, s18, s17, $0x38;
	[tilespmem:$0x18A00] =	vst v63  }
.LBB2_14:
0x4c: {  	s26 =	sshllo.u32 s25, $0x1  }
0x4d: {  	s28 =	sshll.u32 s25, $0x8;
	s0 =	sshll.u32 s26, $0xF  }
0x4e: {  	s4 =	sadd.s32 $0x0, s28;
	s0 =	sadd.s32 s8, s0  }
0x4f: {  	v10 =	vmov s4;
	s9 =	sadd.s32 $0x1, s4;
	s19 =	sadd.s32 $0x3, s4;
	s0 =	sshrl.u32 s0, $0x3  }
0x50: {  	v10 =	vand.u32 $0xFFFFFFFC, v10;
	v11 =	vmov s9;
	v12 =	vmov s19;
	s0 =	sadd.s32 s2, s0  }
0x51: {  	v10 =	vbroadcast v10, $0x0;
	v11 =	vand.u32 $0xFFFFFFFD, v11;
	[tilespmem:s20], [sflag:$0x2] =	stream.strided.gather [hbm4b:s0+s17], $0x4000, s18, s17, $0x38;
	[tilespmem:$0x18A00] =	vst v63  }
0x52: {  	v11 =	vbroadcast v11, $0x0;
	_ =	swait.ge [sflag:s21], $0x4000  }
0x53: {  	s31 =	sadd.s32 $0x2, s4;
	[sflag:s21] =	ssyncset.done $0x0  }
0x54: {  	v13 =	vmov s31;
	[sflag:s21] =	ssyncadd.s32 $0xFFFFC000  }
0x55: {  	v13 =	vand.u32 $0xFFFFFFFE, v13;
	v14 =	vld.idx.msk [tilespmem:v12+s15+$0x0], $0xffff  }
0x56: {  	v13 =	vbroadcast v13, $0x0  }
0x57: {  	v10 =	vld.idx.msk [tilespmem:v10+s15+$0x0], $0xffff  }
0x58: {  	v12 =	vld.idx.msk [tilespmem:v11+s15+$0x0], $0xffff;
	_ =	sdelay $0x1  }
0x59: {  	s29 =	simm.s32 $0x10100;
	v17 =	vshll.u32 v14, $0x7  }
0x5a: {  	v15 =	vld [tilespmem:s29+$0x80];
	v18 =	vor.u32 v0, v17  }
0x5b: {  	v11 =	vld.idx.msk [tilespmem:v13+s15+$0x0], $0xffff;
	v13 =	vshll.u32 v10, $0x7  }
0x5c: {  	v19 =	vld [tilespmem:s29+$0xFFFFFF00];
	v20 =	vor.u32 v0, v13;
	v16 =	vshll.u32 v12, $0x7  }
0x5d: {  	v21 =	vld [tilespmem:s29+$0xFFFFFF80];
	v22 =	vor.u32 v0, v16  }
0x5e: {  	v23 =	vld [tilespmem:s29+$0x0]  }
0x5f: {  	[tilespmem:v18+s3+$0x0] =	vst.idx.add.f32.msk $0xffff, v15  }
0x60: {  	v18 =	vor.u32 v2, v17;
	v15 =	vshll.u32 v11, $0x7;
	v24 =	vld [tilespmem:s29+$0x90]  }
0x61: {  	[tilespmem:v20+s3+$0x0] =	vst.idx.add.f32.msk $0xffff, v19;
	v19 =	vor.u32 v0, v15  }
0x62: {  	[tilespmem:v22+s3+$0x0] =	vst.idx.add.f32.msk $0xffff, v21  }
0x63: {  	v22 =	vld [tilespmem:s29+$0xFFFFFF10]  }
0x64: {  	v25 =	vor.u32 v2, v13;
	v20 =	vld [tilespmem:s29+$0xFFFFFF90]  }
0x65: {  	v21 =	vor.u32 v2, v16;
	[tilespmem:v18+s3+$0x0] =	vst.idx.add.f32.msk $0xffff, v24  }
0x66: {  	[tilespmem:v19+s3+$0x0] =	vst.idx.add.f32.msk $0xffff, v23  }
0x67: {  	v59 =	vor.u32 v3, v17;
	v18 =	vld [tilespmem:s29+$0xA0]  }
0x68: {  	v19 =	vld [tilespmem:s29+$0x10]  }
0x69: {  	[tilespmem:v25+s3+$0x0] =	vst.idx.add.f32.msk $0xffff, v22  }
0x6a: {  	[tilespmem:v21+s3+$0x0] =	vst.idx.add.f32.msk $0xffff, v20;
	v20 =	vor.u32 v2, v15  }
0x6b: {  	v22 =	vor.u32 v3, v13;
	v23 =	vld [tilespmem:s29+$0xFFFFFF20]  }
0x6c: {  	[tilespmem:v59+s3+$0x0] =	vst.idx.add.f32.msk $0xffff, v18  }
0x6d: {  	v21 =	vor.u32 v4, v17;
	v18 =	vld [tilespmem:s29+$0xB0]  }
0x6e: {  	v60 =	vld [tilespmem:s29+$0xFFFFFFA0]  }
0x6f: {  	v61 =	vor.u32 v3, v16;
	[tilespmem:v20+s3+$0x0] =	vst.idx.add.f32.msk $0xffff, v19  }
0x70: {  	[tilespmem:v22+s3+$0x0] =	vst.idx.add.f32.msk $0xffff, v23  }
0x71: {  	v20 =	vor.u32 v3, v15;
	v19 =	vld [tilespmem:s29+$0x20]  }
0x72: {  	[tilespmem:v21+s3+$0x0] =	vst.idx.add.f32.msk $0xffff, v18  }
0x73: {  	v18 =	vld [tilespmem:s29+$0xFFFFFF30];
	v21 =	vor.u32 v4, v13  }
0x74: {  	[tilespmem:v61+s3+$0x0] =	vst.idx.add.f32.msk $0xffff, v60  }
0x75: {  	v22 =	vld [tilespmem:s29+$0xC0]  }
0x76: {  	[tilespmem:v20+s3+$0x0] =	vst.idx.add.f32.msk $0xffff, v19;
	v19 =	vor.u32 v5, v17  }
0x77: {  	v20 =	vld [tilespmem:s29+$0xFFFFFFB0]  }
0x78: {  	[tilespmem:v21+s3+$0x0] =	vst.idx.add.f32.msk $0xffff, v18;
	v18 =	vor.u32 v4, v16  }
0x79: {  	v63 =	vld [tilespmem:s29+$0x30]  }
0x7a: {  	v62 =	vor.u32 v5, v13;
	v23 =	vld [tilespmem:s29+$0xFFFFFF40]  }
0x7b: {  	[tilespmem:v19+s3+$0x0] =	vst.idx.add.f32.msk $0xffff, v22  }
0x7c: {  	v22 =	vor.u32 v6, v17;
	v19 =	vld [tilespmem:s29+$0xD0]  }
0x7d: {  	[tilespmem:v18+s3+$0x0] =	vst.idx.add.f32.msk $0xffff, v20  }
0x7e: {  	v18 =	vor.u32 v4, v15;
	v21 =	vld [tilespmem:s29+$0xFFFFFFC0]  }
0x7f: {  	[tilespmem:v62+s3+$0x0] =	vst.idx.add.f32.msk $0xffff, v23  }
0x80: {  	v26 =	vor.u32 v6, v13;
	v24 =	vld [tilespmem:s29+$0xFFFFFF50]  }
0x81: {  	[tilespmem:v22+s3+$0x0] =	vst.idx.add.f32.msk $0xffff, v19  }
0x82: {  	v23 =	vor.u32 v5, v16;
	v20 =	vld [tilespmem:s29+$0xE0]  }
0x83: {  	[tilespmem:v18+s3+$0x0] =	vst.idx.add.f32.msk $0xffff, v63  }
0x84: {  	v22 =	vor.u32 v7, v17;
	v19 =	vld [tilespmem:s29+$0x40]  }
0x85: {  	s30 =	simm.s32 $0x10100;
	s0 =	simm.s32 $0x4;
	v18 =	vor.u32 v5, v15;
	[tilespmem:v26+s3+$0x0] =	vst.idx.add.f32.msk $0xffff, v24  }
.LBB2_15:
0x86: {  	s4 =	sadd.s32 s28, s0  }
0x87: {  	[tilespmem:v23+s3+$0x0] =	vst.idx.add.f32.msk $0xffff, v21;
	s29 =	sadd.s32 $0x200, s29;
	s9 =	smov.u32 s0;
	s31 =	sadd.s32 $0x4, s0  }
0x88: {  	v17 =	vor.u32 v8, v17;
	v21 =	vmov s4;
	s9 =	sadd.s32 $0x1, s4;
	v23 =	vld [tilespmem:s29+$0xFFFFFF80];
	s19 =	sadd.s32 $0x2, s4;
	s4 =	sadd.s32 $0x3, s4  }
0x89: {  	p1 =	slt.u32 s0, $0x7C;
	v21 =	vand.u32 $0xFFFFFFFC, v21;
	v24 =	vmov s9;
	v25 =	vmov s19;
	[tilespmem:v22+s3+$0x0] =	vst.idx.add.f32.msk $0xffff, v20  }
0x8a: {  	v20 =	vbroadcast v21, $0x0;
	v21 =	vand.u32 $0xFFFFFFFD, v24;
	v22 =	vand.u32 $0xFFFFFFFE, v25;
	v24 =	vld [tilespmem:s30+$0xF0]  }
0x8b: {  	v21 =	vbroadcast v21, $0x0;
	v25 =	vld [tilespmem:s30+$0xFFFFFFD0]  }
0x8c: {  	v26 =	vor.u32 v6, v16;
	v22 =	vbroadcast v22, $0x0;
	[tilespmem:v18+s3+$0x0] =	vst.idx.add.f32.msk $0xffff, v19  }
0x8d: {  	v18 =	vld [tilespmem:s30+$0x50]  }
0x8e: {  	v27 =	vor.u32 v6, v15;
	v19 =	vld [tilespmem:s29+$0x80]  }
0x8f: {  	[tilespmem:v17+s3+$0x0] =	vst.idx.add.f32.msk $0xffff, v24  }
0x90: {  	v17 =	vmov s4;
	[tilespmem:v14+s22+$0x0] =	vst.idx.add.f32.msk $0x1, v9  }
0x91: {  	[tilespmem:v26+s3+$0x0] =	vst.idx.add.f32.msk $0xffff, v25  }
0x92: {  	v22 =	vld.idx.msk [tilespmem:v22+s15+$0x0], $0xffff  }
0x93: {  	[tilespmem:v27+s3+$0x0] =	vst.idx.add.f32.msk $0xffff, v18  }
0x94: {  	v24 =	vld [tilespmem:s29+$0x0]  }
0x95: {  	v25 =	vor.u32 v7, v15;
	v18 =	vld [tilespmem:s30+$0x60]  }
0x96: {  	v27 =	vor.u32 v7, v16;
	v26 =	vld [tilespmem:s30+$0xFFFFFFE0]  }
0x97: {  	v20 =	vld.idx.msk [tilespmem:v20+s15+$0x0], $0xffff  }
0x98: {  	v28 =	vld [tilespmem:s30+$0xFFFFFF60]  }
0x99: {  	v14 =	vld.idx.msk [tilespmem:v17+s15+$0x0], $0xffff;
	v17 =	vor.u32 v7, v13  }
0x9a: {  	[tilespmem:v25+s3+$0x0] =	vst.idx.add.f32.msk $0xffff, v18  }
0x9b: {  	[tilespmem:v27+s3+$0x0] =	vst.idx.add.f32.msk $0xffff, v26  }
0x9c: {  	v16 =	vor.u32 v8, v16;
	v25 =	vshll.u32 v22, $0x7;
	v26 =	vld [tilespmem:s30+$0xFFFFFFF0]  }
0x9d: {  	v27 =	vor.u32 v0, v25;
	v18 =	vor.u32 v5, v25;
	v21 =	vld.idx.msk [tilespmem:v21+s15+$0x0], $0xffff  }
0x9e: {  	[tilespmem:v17+s3+$0x0] =	vst.idx.add.f32.msk $0xffff, v28  }
0x9f: {  	v29 =	vor.u32 v8, v15;
	v15 =	vmov v25;
	v28 =	vld [tilespmem:s30+$0x70]  }
0xa0: {  	v30 =	vor.u32 v8, v13;
	v17 =	vshll.u32 v14, $0x7;
	v25 =	vld [tilespmem:s30+$0xFFFFFF70];
	s30 =	smov.u32 s29  }
0xa1: {  	v13 =	vshll.u32 v20, $0x7;
	v31 =	vor.u32 v0, v17;
	[tilespmem:v16+s3+$0x0] =	vst.idx.add.f32.msk $0xffff, v26  }
0xa2: {  	v26 =	vld [tilespmem:s29+$0xFFFFFF00]  }
0xa3: {  	v32 =	vor.u32 v0, v13;
	v16 =	vshll.u32 v21, $0x7;
	[tilespmem:v12+s22+$0x0] =	vst.idx.add.f32.msk $0x1, v9;
	v12 =	vmov v21  }
0xa4: {  	[tilespmem:v29+s3+$0x0] =	vst.idx.add.f32.msk $0xffff, v28  }
0xa5: {  	v21 =	vor.u32 v0, v16;
	[tilespmem:v30+s3+$0x0] =	vst.idx.add.f32.msk $0xffff, v25  }
0xa6: {  	[tilespmem:v10+s22+$0x0] =	vst.idx.add.f32.msk $0x1, v9;
	v10 =	vmov v20  }
0xa7: {  	[tilespmem:v11+s22+$0x0] =	vst.idx.add.f32.msk $0x1, v9;
	v11 =	vmov v22  }
0xa8: {  	[tilespmem:v31+s3+$0x0] =	vst.idx.add.f32.msk $0xffff, v19;
	v19 =	vor.u32 v2, v17  }
0xa9: {  	v20 =	vld [tilespmem:s29+$0x90]  }
0xaa: {  	v22 =	vor.u32 v2, v13;
	[tilespmem:v32+s3+$0x0] =	vst.idx.add.f32.msk $0xffff, v26  }
0xab: {  	[tilespmem:v21+s3+$0x0] =	vst.idx.add.f32.msk $0xffff, v23  }
0xac: {  	v23 =	vor.u32 v2, v16;
	v21 =	vld [tilespmem:s29+$0xFFFFFF90]  }
0xad: {  	v25 =	vld [tilespmem:s29+$0xFFFFFF10]  }
0xae: {  	[tilespmem:v19+s3+$0x0] =	vst.idx.add.f32.msk $0xffff, v20  }
0xaf: {  	v20 =	vor.u32 v3, v17;
	v19 =	vld [tilespmem:s29+$0xA0]  }
0xb0: {  	[tilespmem:v27+s3+$0x0] =	vst.idx.add.f32.msk $0xffff, v24  }
0xb1: {  	v24 =	vor.u32 v3, v13;
	[tilespmem:v23+s3+$0x0] =	vst.idx.add.f32.msk $0xffff, v21  }
0xb2: {  	v21 =	vld [tilespmem:s29+$0x10]  }
0xb3: {  	[tilespmem:v22+s3+$0x0] =	vst.idx.add.f32.msk $0xffff, v25;
	v22 =	vor.u32 v2, v15  }
0xb4: {  	[tilespmem:v20+s3+$0x0] =	vst.idx.add.f32.msk $0xffff, v19  }
0xb5: {  	v20 =	vor.u32 v4, v17;
	v19 =	vld [tilespmem:s29+$0xB0]  }
0xb6: {  	v23 =	vld [tilespmem:s29+$0xFFFFFF20]  }
0xb7: {  	v25 =	vld [tilespmem:s29+$0xFFFFFFA0]  }
0xb8: {  	[tilespmem:v22+s3+$0x0] =	vst.idx.add.f32.msk $0xffff, v21  }
0xb9: {  	v22 =	vor.u32 v3, v15;
	v21 =	vld [tilespmem:s29+$0x20]  }
0xba: {  	v26 =	vor.u32 v3, v16;
	[tilespmem:v20+s3+$0x0] =	vst.idx.add.f32.msk $0xffff, v19  }
0xbb: {  	[tilespmem:v24+s3+$0x0] =	vst.idx.add.f32.msk $0xffff, v23  }
0xbc: {  	v20 =	vor.u32 v4, v13;
	v19 =	vld [tilespmem:s29+$0xFFFFFF30]  }
0xbd: {  	v23 =	vld [tilespmem:s29+$0xC0]  }
0xbe: {  	[tilespmem:v22+s3+$0x0] =	vst.idx.add.f32.msk $0xffff, v21  }
0xbf: {  	v21 =	vor.u32 v5, v17;
	[tilespmem:v26+s3+$0x0] =	vst.idx.add.f32.msk $0xffff, v25  }
0xc0: {  	v22 =	vld [tilespmem:s29+$0xFFFFFFB0]  }
0xc1: {  	[tilespmem:v20+s3+$0x0] =	vst.idx.add.f32.msk $0xffff, v19;
	v19 =	vor.u32 v4, v16  }
0xc2: {  	v20 =	vld [tilespmem:s29+$0xFFFFFF40]  }
0xc3: {  	v24 =	vor.u32 v5, v13;
	v25 =	vld [tilespmem:s29+$0x30]  }
0xc4: {  	[tilespmem:v21+s3+$0x0] =	vst.idx.add.f32.msk $0xffff, v23  }
0xc5: {  	v27 =	vor.u32 v6, v17;
	v26 =	vld [tilespmem:s29+$0xD0]  }
0xc6: {  	[tilespmem:v19+s3+$0x0] =	vst.idx.add.f32.msk $0xffff, v22  }
0xc7: {  	v19 =	vor.u32 v4, v15;
	v21 =	vld [tilespmem:s29+$0xFFFFFFC0]  }
0xc8: {  	[tilespmem:v24+s3+$0x0] =	vst.idx.add.f32.msk $0xffff, v20  }
0xc9: {  	v28 =	vor.u32 v6, v13;
	v24 =	vld [tilespmem:s29+$0xFFFFFF50]  }
.Ltmp5:
0xca: {  	v23 =	vor.u32 v5, v16;
	[tilespmem:v27+s3+$0x0] =	vst.idx.add.f32.msk $0xffff, v26;
	(pc) =	sbr.rel @p1 .LBB2_15-.Ltmp5, $4  }
0xcb: {  	v20 =	vld [tilespmem:s29+$0xE0]  }
0xcc: {  	v22 =	vor.u32 v7, v17;
	[tilespmem:v19+s3+$0x0] =	vst.idx.add.f32.msk $0xffff, v25  }
0xcd: {  	v19 =	vld [tilespmem:s29+$0x40]  }
0xce: {  	s0 =	smov.u32 s31;
	[tilespmem:v28+s3+$0x0] =	vst.idx.add.f32.msk $0xffff, v24  }
0xcf: {  	_ =	sdelay $0x3  }
0xd0: {  	[tilespmem:v23+s3+$0x0] =	vst.idx.add.f32.msk $0xffff, v21  }
0xd1: {  	v23 =	vor.u32 v6, v16;
	v21 =	vld [tilespmem:s30+$0xFFFFFFD0]  }
0xd2: {  	[tilespmem:v22+s3+$0x0] =	vst.idx.add.f32.msk $0xffff, v20  }
0xd3: {  	[tilespmem:v18+s3+$0x0] =	vst.idx.add.f32.msk $0xffff, v19  }
0xd4: {  	v19 =	vor.u32 v6, v15;
	v18 =	vld [tilespmem:s30+$0x50]  }
0xd5: {  	v20 =	vld [tilespmem:s30+$0xF0]  }
0xd6: {  	v17 =	vor.u32 v8, v17;
	[tilespmem:v23+s3+$0x0] =	vst.idx.add.f32.msk $0xffff, v21  }
0xd7: {  	v24 =	vor.u32 v7, v13;
	v23 =	vld [tilespmem:s30+$0xFFFFFF60]  }
0xd8: {  	v22 =	vor.u32 v7, v16;
	v21 =	vld [tilespmem:s30+$0xFFFFFFE0]  }
0xd9: {  	[tilespmem:v19+s3+$0x0] =	vst.idx.add.f32.msk $0xffff, v18  }
0xda: {  	v19 =	vor.u32 v7, v15;
	v18 =	vld [tilespmem:s30+$0x60]  }
0xdb: {  	[tilespmem:v17+s3+$0x0] =	vst.idx.add.f32.msk $0xffff, v20  }
0xdc: {  	[tilespmem:v24+s3+$0x0] =	vst.idx.add.f32.msk $0xffff, v23  }
0xdd: {  	[tilespmem:v22+s3+$0x0] =	vst.idx.add.f32.msk $0xffff, v21  }
0xde: {  	v16 =	vor.u32 v8, v16;
	v17 =	vld [tilespmem:s30+$0xFFFFFFF0]  }
0xdf: {  	[tilespmem:v19+s3+$0x0] =	vst.idx.add.f32.msk $0xffff, v18  }
0xe0: {  	v13 =	vor.u32 v8, v13;
	v19 =	vld [tilespmem:s30+$0xFFFFFF70]  }
0xe1: {  	v15 =	vor.u32 v8, v15;
	v18 =	vld [tilespmem:s30+$0x70]  }
0xe2: {  	[tilespmem:v14+s22+$0x0] =	vst.idx.add.f32.msk $0x1, v9  }
0xe3: {  	[tilespmem:v16+s3+$0x0] =	vst.idx.add.f32.msk $0xffff, v17  }
0xe4: {  	p1 =	seq.s32 s25, $0x7;
	[tilespmem:v12+s22+$0x0] =	vst.idx.add.f32.msk $0x1, v9  }
0xe5: {  	s26 =	sshll.u32 s26, $0x7;
	s0 =	sshll.u32 @!p1 s25, $0x10;
	[tilespmem:v13+s3+$0x0] =	vst.idx.add.f32.msk $0xffff, v19  }
0xe6: {  	s4 =	sadd.s32 $0x0, s26;
	s28 =	simm.s32 @!p1 $0x400;
	s0 =	sadd.s32 @!p1 s0, s11;
	[tilespmem:v15+s3+$0x0] =	vst.idx.add.f32.msk $0xffff, v18  }
0xe7: {  	s9 =	sadd.s32 $0x1, s4;
	s19 =	sadd.s32 $0x3, s4;
	s0 =	sshrl.u32 @!p1 s0, $0x3;
	[tilespmem:v10+s22+$0x0] =	vst.idx.add.f32.msk $0x1, v9;
	v10 =	vmov s4  }
0xe8: {  	s0 =	sadd.s32 @!p1 s2, s0;
	v12 =	vmov s19;
	s19 =	simm.s32 @!p1 $0x10000;
	[tilespmem:v11+s22+$0x0] =	vst.idx.add.f32.msk $0x1, v9;
	v11 =	vmov s9;
	s9 =	simm.s32 @!p1 $0x800;
	v10 =	vand.u32 $0xFFFFFFFC, v10  }
0xe9: {  	[tilespmem:s19], [sflag:$0x1] =	stream.strided.gather @!p1 [hbm4b:s0+s28], $0x4000, s9, s28, $0x38;
	v10 =	vbroadcast v10, $0x0;
	v11 =	vand.u32 $0xFFFFFFFD, v11;
	[tilespmem:$0x18A00] =	vst v63  }
0xea: {  	_ =	swait.ge [sflag:s23], $0x4000;
	v11 =	vbroadcast v11, $0x0  }
0xeb: {  	s31 =	sadd.s32 $0x2, s4;
	[sflag:s23] =	ssyncset.done $0x0  }
0xec: {  	v13 =	vmov s31;
	[sflag:s23] =	ssyncadd.s32 $0xFFFFC000  }
0xed: {  	v13 =	vand.u32 $0xFFFFFFFE, v13;
	v14 =	vld.idx.msk [tilespmem:v12+s15+$0x0], $0xffff  }
0xee: {  	v13 =	vbroadcast v13, $0x0  }
0xef: {  	v10 =	vld.idx.msk [tilespmem:v10+s15+$0x0], $0xffff  }
0xf0: {  	v12 =	vld.idx.msk [tilespmem:v11+s15+$0x0], $0xffff;
	_ =	sdelay $0x1  }
0xf1: {  	s28 =	simm.s32 $0x14100;
	v17 =	vshll.u32 v14, $0x7  }
0xf2: {  	v15 =	vld [tilespmem:s28+$0x80];
	v18 =	vor.u32 v0, v17  }
0xf3: {  	v11 =	vld.idx.msk [tilespmem:v13+s15+$0x0], $0xffff;
	v13 =	vshll.u32 v10, $0x7  }
0xf4: {  	v19 =	vld [tilespmem:s28+$0xFFFFFF00];
	v20 =	vor.u32 v0, v13;
	v16 =	vshll.u32 v12, $0x7  }
0xf5: {  	v21 =	vld [tilespmem:s28+$0xFFFFFF80];
	v22 =	vor.u32 v0, v16  }
0xf6: {  	v23 =	vld [tilespmem:s28+$0x0]  }
0xf7: {  	[tilespmem:v18+s3+$0x0] =	vst.idx.add.f32.msk $0xffff, v15  }
0xf8: {  	v18 =	vor.u32 v2, v17;
	v58 =	vld [tilespmem:s28+$0x90]  }
0xf9: {  	v15 =	vshll.u32 v11, $0x7;
	[tilespmem:v20+s3+$0x0] =	vst.idx.add.f32.msk $0xffff, v19  }
0xfa: {  	v19 =	vor.u32 v0, v15;
	[tilespmem:v22+s3+$0x0] =	vst.idx.add.f32.msk $0xffff, v21  }
0xfb: {  	v22 =	vld [tilespmem:s28+$0xFFFFFF10]  }
0xfc: {  	v25 =	vor.u32 v2, v13;
	v20 =	vld [tilespmem:s28+$0xFFFFFF90]  }
0xfd: {  	v21 =	vor.u32 v2, v16;
	[tilespmem:v18+s3+$0x0] =	vst.idx.add.f32.msk $0xffff, v58  }
0xfe: {  	v18 =	vld [tilespmem:s28+$0xA0]  }
0xff: {  	v59 =	vor.u32 v3, v17;
	[tilespmem:v19+s3+$0x0] =	vst.idx.add.f32.msk $0xffff, v23  }
0x100: {  	v19 =	vld [tilespmem:s28+$0x10]  }
0x101: {  	[tilespmem:v25+s3+$0x0] =	vst.idx.add.f32.msk $0xffff, v22  }
0x102: {  	[tilespmem:v21+s3+$0x0] =	vst.idx.add.f32.msk $0xffff, v20;
	v20 =	vor.u32 v2, v15  }
0x103: {  	v22 =	vor.u32 v3, v13;
	v23 =	vld [tilespmem:s28+$0xFFFFFF20]  }
0x104: {  	[tilespmem:v59+s3+$0x0] =	vst.idx.add.f32.msk $0xffff, v18  }
0x105: {  	v21 =	vor.u32 v4, v17;
	v18 =	vld [tilespmem:s28+$0xB0]  }
0x106: {  	v60 =	vld [tilespmem:s28+$0xFFFFFFA0]  }
0x107: {  	v61 =	vor.u32 v3, v16;
	[tilespmem:v20+s3+$0x0] =	vst.idx.add.f32.msk $0xffff, v19  }
0x108: {  	[tilespmem:v22+s3+$0x0] =	vst.idx.add.f32.msk $0xffff, v23  }
0x109: {  	v20 =	vor.u32 v3, v15;
	v19 =	vld [tilespmem:s28+$0x20]  }
0x10a: {  	[tilespmem:v21+s3+$0x0] =	vst.idx.add.f32.msk $0xffff, v18  }
0x10b: {  	v18 =	vld [tilespmem:s28+$0xFFFFFF30];
	v21 =	vor.u32 v4, v13  }
0x10c: {  	[tilespmem:v61+s3+$0x0] =	vst.idx.add.f32.msk $0xffff, v60  }
0x10d: {  	v22 =	vld [tilespmem:s28+$0xC0]  }
0x10e: {  	[tilespmem:v20+s3+$0x0] =	vst.idx.add.f32.msk $0xffff, v19;
	v19 =	vor.u32 v5, v17  }
0x10f: {  	v20 =	vld [tilespmem:s28+$0xFFFFFFB0]  }
0x110: {  	[tilespmem:v21+s3+$0x0] =	vst.idx.add.f32.msk $0xffff, v18;
	v18 =	vor.u32 v4, v16  }
0x111: {  	v63 =	vld [tilespmem:s28+$0x30]  }
0x112: {  	v62 =	vor.u32 v5, v13;
	v23 =	vld [tilespmem:s28+$0xFFFFFF40]  }
0x113: {  	[tilespmem:v19+s3+$0x0] =	vst.idx.add.f32.msk $0xffff, v22  }
0x114: {  	v22 =	vor.u32 v6, v17;
	v19 =	vld [tilespmem:s28+$0xD0]  }
0x115: {  	[tilespmem:v18+s3+$0x0] =	vst.idx.add.f32.msk $0xffff, v20  }
0x116: {  	v18 =	vor.u32 v4, v15;
	v21 =	vld [tilespmem:s28+$0xFFFFFFC0]  }
0x117: {  	[tilespmem:v62+s3+$0x0] =	vst.idx.add.f32.msk $0xffff, v23  }
0x118: {  	v26 =	vor.u32 v6, v13;
	v24 =	vld [tilespmem:s28+$0xFFFFFF50]  }
0x119: {  	[tilespmem:v22+s3+$0x0] =	vst.idx.add.f32.msk $0xffff, v19  }
0x11a: {  	v23 =	vor.u32 v5, v16;
	v20 =	vld [tilespmem:s28+$0xE0]  }
0x11b: {  	[tilespmem:v18+s3+$0x0] =	vst.idx.add.f32.msk $0xffff, v63  }
0x11c: {  	v22 =	vor.u32 v7, v17;
	v19 =	vld [tilespmem:s28+$0x40]  }
0x11d: {  	s29 =	simm.s32 $0x14100;
	s0 =	simm.s32 $0x4;
	v18 =	vor.u32 v5, v15;
	[tilespmem:v26+s3+$0x0] =	vst.idx.add.f32.msk $0xffff, v24  }
.LBB2_17:
0x11e: {  	s4 =	sadd.s32 s26, s0  }
0x11f: {  	[tilespmem:v23+s3+$0x0] =	vst.idx.add.f32.msk $0xffff, v21;
	s28 =	sadd.s32 $0x200, s28;
	s9 =	smov.u32 s0;
	s30 =	sadd.s32 $0x4, s0  }
0x120: {  	v17 =	vor.u32 v8, v17;
	v21 =	vmov s4;
	s9 =	sadd.s32 $0x1, s4;
	v23 =	vld [tilespmem:s28+$0xFFFFFF80];
	s19 =	sadd.s32 $0x2, s4;
	s4 =	sadd.s32 $0x3, s4  }
0x121: {  	p1 =	slt.u32 s0, $0x7C;
	v21 =	vand.u32 $0xFFFFFFFC, v21;
	v24 =	vmov s9;
	v25 =	vmov s19;
	[tilespmem:v22+s3+$0x0] =	vst.idx.add.f32.msk $0xffff, v20  }
0x122: {  	v20 =	vbroadcast v21, $0x0;
	v21 =	vand.u32 $0xFFFFFFFD, v24;
	v22 =	vand.u32 $0xFFFFFFFE, v25;
	v24 =	vld [tilespmem:s29+$0xF0]  }
0x123: {  	v21 =	vbroadcast v21, $0x0;
	v25 =	vld [tilespmem:s29+$0xFFFFFFD0]  }
0x124: {  	v26 =	vor.u32 v6, v16;
	v22 =	vbroadcast v22, $0x0;
	[tilespmem:v18+s3+$0x0] =	vst.idx.add.f32.msk $0xffff, v19  }
0x125: {  	v18 =	vld [tilespmem:s29+$0x50]  }
0x126: {  	v27 =	vor.u32 v6, v15;
	v19 =	vld [tilespmem:s28+$0x80]  }
0x127: {  	[tilespmem:v17+s3+$0x0] =	vst.idx.add.f32.msk $0xffff, v24  }
0x128: {  	v17 =	vmov s4;
	[tilespmem:v14+s22+$0x0] =	vst.idx.add.f32.msk $0x1, v9  }
0x129: {  	[tilespmem:v26+s3+$0x0] =	vst.idx.add.f32.msk $0xffff, v25  }
0x12a: {  	v22 =	vld.idx.msk [tilespmem:v22+s15+$0x0], $0xffff  }
0x12b: {  	[tilespmem:v27+s3+$0x0] =	vst.idx.add.f32.msk $0xffff, v18  }
0x12c: {  	v24 =	vld [tilespmem:s28+$0x0]  }
0x12d: {  	v25 =	vor.u32 v7, v15;
	v18 =	vld [tilespmem:s29+$0x60]  }
0x12e: {  	v27 =	vor.u32 v7, v16;
	v26 =	vld [tilespmem:s29+$0xFFFFFFE0]  }
0x12f: {  	v20 =	vld.idx.msk [tilespmem:v20+s15+$0x0], $0xffff  }
0x130: {  	v28 =	vld [tilespmem:s29+$0xFFFFFF60]  }
0x131: {  	v14 =	vld.idx.msk [tilespmem:v17+s15+$0x0], $0xffff;
	v17 =	vor.u32 v7, v13  }
0x132: {  	[tilespmem:v25+s3+$0x0] =	vst.idx.add.f32.msk $0xffff, v18  }
0x133: {  	[tilespmem:v27+s3+$0x0] =	vst.idx.add.f32.msk $0xffff, v26  }
0x134: {  	v16 =	vor.u32 v8, v16;
	v25 =	vshll.u32 v22, $0x7;
	v26 =	vld [tilespmem:s29+$0xFFFFFFF0]  }
0x135: {  	v27 =	vor.u32 v0, v25;
	v18 =	vor.u32 v5, v25;
	v21 =	vld.idx.msk [tilespmem:v21+s15+$0x0], $0xffff  }
0x136: {  	[tilespmem:v17+s3+$0x0] =	vst.idx.add.f32.msk $0xffff, v28  }
0x137: {  	v29 =	vor.u32 v8, v15;
	v15 =	vmov v25;
	v28 =	vld [tilespmem:s29+$0x70]  }
0x138: {  	v30 =	vor.u32 v8, v13;
	v17 =	vshll.u32 v14, $0x7;
	v25 =	vld [tilespmem:s29+$0xFFFFFF70];
	s29 =	smov.u32 s28  }
0x139: {  	v13 =	vshll.u32 v20, $0x7;
	v31 =	vor.u32 v0, v17;
	[tilespmem:v16+s3+$0x0] =	vst.idx.add.f32.msk $0xffff, v26  }
0x13a: {  	v26 =	vld [tilespmem:s28+$0xFFFFFF00]  }
0x13b: {  	v32 =	vor.u32 v0, v13;
	v16 =	vshll.u32 v21, $0x7;
	[tilespmem:v12+s22+$0x0] =	vst.idx.add.f32.msk $0x1, v9;
	v12 =	vmov v21  }
0x13c: {  	[tilespmem:v29+s3+$0x0] =	vst.idx.add.f32.msk $0xffff, v28  }
0x13d: {  	v21 =	vor.u32 v0, v16;
	[tilespmem:v30+s3+$0x0] =	vst.idx.add.f32.msk $0xffff, v25  }
0x13e: {  	[tilespmem:v10+s22+$0x0] =	vst.idx.add.f32.msk $0x1, v9;
	v10 =	vmov v20  }
0x13f: {  	[tilespmem:v11+s22+$0x0] =	vst.idx.add.f32.msk $0x1, v9;
	v11 =	vmov v22  }
0x140: {  	[tilespmem:v31+s3+$0x0] =	vst.idx.add.f32.msk $0xffff, v19;
	v19 =	vor.u32 v2, v17  }
0x141: {  	v20 =	vld [tilespmem:s28+$0x90]  }
0x142: {  	v22 =	vor.u32 v2, v13;
	[tilespmem:v32+s3+$0x0] =	vst.idx.add.f32.msk $0xffff, v26  }
0x143: {  	[tilespmem:v21+s3+$0x0] =	vst.idx.add.f32.msk $0xffff, v23  }
0x144: {  	v23 =	vor.u32 v2, v16;
	v21 =	vld [tilespmem:s28+$0xFFFFFF90]  }
0x145: {  	v25 =	vld [tilespmem:s28+$0xFFFFFF10]  }
0x146: {  	[tilespmem:v19+s3+$0x0] =	vst.idx.add.f32.msk $0xffff, v20  }
0x147: {  	v20 =	vor.u32 v3, v17;
	v19 =	vld [tilespmem:s28+$0xA0]  }
0x148: {  	[tilespmem:v27+s3+$0x0] =	vst.idx.add.f32.msk $0xffff, v24  }
0x149: {  	v24 =	vor.u32 v3, v13;
	[tilespmem:v23+s3+$0x0] =	vst.idx.add.f32.msk $0xffff, v21  }
0x14a: {  	v21 =	vld [tilespmem:s28+$0x10]  }
0x14b: {  	[tilespmem:v22+s3+$0x0] =	vst.idx.add.f32.msk $0xffff, v25;
	v22 =	vor.u32 v2, v15  }
0x14c: {  	[tilespmem:v20+s3+$0x0] =	vst.idx.add.f32.msk $0xffff, v19  }
0x14d: {  	v20 =	vor.u32 v4, v17;
	v19 =	vld [tilespmem:s28+$0xB0]  }
0x14e: {  	v23 =	vld [tilespmem:s28+$0xFFFFFF20]  }
0x14f: {  	v25 =	vld [tilespmem:s28+$0xFFFFFFA0]  }
0x150: {  	[tilespmem:v22+s3+$0x0] =	vst.idx.add.f32.msk $0xffff, v21  }
0x151: {  	v22 =	vor.u32 v3, v15;
	v21 =	vld [tilespmem:s28+$0x20]  }
0x152: {  	v26 =	vor.u32 v3, v16;
	[tilespmem:v20+s3+$0x0] =	vst.idx.add.f32.msk $0xffff, v19  }
0x153: {  	[tilespmem:v24+s3+$0x0] =	vst.idx.add.f32.msk $0xffff, v23  }
0x154: {  	v20 =	vor.u32 v4, v13;
	v19 =	vld [tilespmem:s28+$0xFFFFFF30]  }
0x155: {  	v23 =	vld [tilespmem:s28+$0xC0]  }
0x156: {  	[tilespmem:v22+s3+$0x0] =	vst.idx.add.f32.msk $0xffff, v21  }
0x157: {  	v21 =	vor.u32 v5, v17;
	[tilespmem:v26+s3+$0x0] =	vst.idx.add.f32.msk $0xffff, v25  }
0x158: {  	v22 =	vld [tilespmem:s28+$0xFFFFFFB0]  }
0x159: {  	[tilespmem:v20+s3+$0x0] =	vst.idx.add.f32.msk $0xffff, v19;
	v19 =	vor.u32 v4, v16  }
0x15a: {  	v20 =	vld [tilespmem:s28+$0xFFFFFF40]  }
0x15b: {  	v24 =	vor.u32 v5, v13;
	v25 =	vld [tilespmem:s28+$0x30]  }
0x15c: {  	[tilespmem:v21+s3+$0x0] =	vst.idx.add.f32.msk $0xffff, v23  }
0x15d: {  	v27 =	vor.u32 v6, v17;
	v26 =	vld [tilespmem:s28+$0xD0]  }
0x15e: {  	[tilespmem:v19+s3+$0x0] =	vst.idx.add.f32.msk $0xffff, v22  }
0x15f: {  	v19 =	vor.u32 v4, v15;
	v21 =	vld [tilespmem:s28+$0xFFFFFFC0]  }
0x160: {  	[tilespmem:v24+s3+$0x0] =	vst.idx.add.f32.msk $0xffff, v20  }
0x161: {  	v28 =	vor.u32 v6, v13;
	v24 =	vld [tilespmem:s28+$0xFFFFFF50]  }
.Ltmp6:
0x162: {  	v23 =	vor.u32 v5, v16;
	[tilespmem:v27+s3+$0x0] =	vst.idx.add.f32.msk $0xffff, v26;
	(pc) =	sbr.rel @p1 .LBB2_17-.Ltmp6, $4  }
0x163: {  	v20 =	vld [tilespmem:s28+$0xE0]  }
0x164: {  	v22 =	vor.u32 v7, v17;
	[tilespmem:v19+s3+$0x0] =	vst.idx.add.f32.msk $0xffff, v25  }
0x165: {  	v19 =	vld [tilespmem:s28+$0x40]  }
0x166: {  	s0 =	smov.u32 s30;
	[tilespmem:v28+s3+$0x0] =	vst.idx.add.f32.msk $0xffff, v24  }
0x167: {  	_ =	sdelay $0x3  }
0x168: {  	[tilespmem:v23+s3+$0x0] =	vst.idx.add.f32.msk $0xffff, v21  }
0x169: {  	v58 =	vld [tilespmem:s29+$0xFFFFFF60]  }
0x16a: {  	v24 =	vor.u32 v7, v13;
	v21 =	vld [tilespmem:s29+$0xFFFFFFD0]  }
0x16b: {  	v54 =	vor.u32 v6, v16;
	[tilespmem:v22+s3+$0x0] =	vst.idx.add.f32.msk $0xffff, v20  }
0x16c: {  	v20 =	vld [tilespmem:s29+$0xF0]  }
0x16d: {  	[tilespmem:v18+s3+$0x0] =	vst.idx.add.f32.msk $0xffff, v19  }
0x16e: {  	v55 =	vor.u32 v6, v15;
	v18 =	vld [tilespmem:s29+$0x50]  }
0x16f: {  	[tilespmem:v24+s3+$0x0] =	vst.idx.add.f32.msk $0xffff, v58  }
0x170: {  	v17 =	vor.u32 v8, v17;
	[tilespmem:v54+s3+$0x0] =	vst.idx.add.f32.msk $0xffff, v21  }
0x171: {  	v62 =	vld [tilespmem:s29+$0xFFFFFF70]  }
0x172: {  	v57 =	vor.u32 v7, v16;
	v21 =	vld [tilespmem:s29+$0xFFFFFFE0]  }
0x173: {  	[tilespmem:v55+s3+$0x0] =	vst.idx.add.f32.msk $0xffff, v18  }
0x174: {  	v56 =	vor.u32 v7, v15;
	v18 =	vld [tilespmem:s29+$0x60]  }
0x175: {  	[tilespmem:v17+s3+$0x0] =	vst.idx.add.f32.msk $0xffff, v20  }
0x176: {  	v63 =	vor.u32 v8, v13;
	[tilespmem:v14+s22+$0x0] =	vst.idx.add.f32.msk $0x1, v9  }
0x177: {  	[tilespmem:v57+s3+$0x0] =	vst.idx.add.f32.msk $0xffff, v21  }
0x178: {  	v60 =	vor.u32 v8, v16;
	v59 =	vld [tilespmem:s29+$0xFFFFFFF0]  }
0x179: {  	[tilespmem:v56+s3+$0x0] =	vst.idx.add.f32.msk $0xffff, v18  }
0x17a: {  	v61 =	vor.u32 v8, v15;
	s25 =	sadd.s32 $0x1, s25;
	v18 =	vld [tilespmem:s29+$0x70]  }
0x17b: {  	p1 =	sne.s32 s25, $0x8;
	[tilespmem:v63+s3+$0x0] =	vst.idx.add.f32.msk $0xffff, v62  }
.Ltmp7:
0x17c: {  	[tilespmem:v10+s22+$0x0] =	vst.idx.add.f32.msk $0x1, v9;
	(pc) =	sbr.rel @p1 .LBB2_14-.Ltmp7, $4  }
0x17d: {  	[tilespmem:v60+s3+$0x0] =	vst.idx.add.f32.msk $0xffff, v59  }
0x17e: {  	[tilespmem:v12+s22+$0x0] =	vst.idx.add.f32.msk $0x1, v9  }
0x17f: {  	[tilespmem:v61+s3+$0x0] =	vst.idx.add.f32.msk $0xffff, v18  }
0x180: {  	[tilespmem:v11+s22+$0x0] =	vst.idx.add.f32.msk $0x1, v9  }
.Ltmp8:
0x181: {  	(pc) =	sbr.rel .LBB2_20-.Ltmp8, $2  }
0x182: {  	_ =	sdelay $0x2  }
0x183: {  	s0 =	smov.u32 s7  }
.LBB2_6:
0x184: {  	s0 =	rddreg [dreg:$0x6]  }
0x185: {  	[tilespmem:s15], [sflag:$0x3] =	stream.linear.gather [hbm4b:s0+s25], $0x800, $0x38;
	[tilespmem:$0x18A00] =	vst v63  }
0x186: {  	_ =	swait.ge [sflag:s16], $0x800  }
0x187: {  	[sflag:s16] =	ssyncset.done $0x0  }
0x188: {  	s31 =	simm.s32 $0x10000;
	[sflag:s16] =	ssyncadd.s32 $0xFFFFF800  }
0x189: {  	[tilespmem:s31], [sflag:$0x1] =	stream.strided.gather [hbm4b:s10+s17], $0x4000, s18, s17, $0x38;
	[tilespmem:$0x18A00] =	vst v63  }
.LBB2_7:
0x18a: {  	s26 =	sshllo.u32 s25, $0x1  }
0x18b: {  	s28 =	sshll.u32 s25, $0x8;
	s0 =	sshll.u32 s26, $0xF  }
0x18c: {  	s29 =	sadd.s32 $0x0, s28;
	s0 =	sadd.s32 s8, s0  }
0x18d: {  	v10 =	vmov s29;
	s30 =	sadd.s32 $0x1, s29;
	s31 =	sadd.s32 $0x3, s29;
	s0 =	sshrl.u32 s0, $0x3  }
0x18e: {  	v10 =	vand.u32 $0xFFFFFFFC, v10;
	v11 =	vmov s30;
	v12 =	vmov s31;
	s0 =	sadd.s32 s1, s0  }
0x18f: {  	v10 =	vbroadcast v10, $0x0;
	v11 =	vand.u32 $0xFFFFFFFD, v11;
	[tilespmem:s20], [sflag:$0x2] =	stream.strided.gather [hbm4b:s0+s17], $0x4000, s18, s17, $0x38;
	[tilespmem:$0x18A00] =	vst v63  }
0x190: {  	v11 =	vbroadcast v11, $0x0;
	_ =	swait.ge [sflag:s21], $0x4000  }
0x191: {  	s19 =	sadd.s32 $0x2, s29;
	[sflag:s21] =	ssyncset.done $0x0  }
0x192: {  	v13 =	vmov s19;
	[sflag:s21] =	ssyncadd.s32 $0xFFFFC000  }
0x193: {  	v13 =	vand.u32 $0xFFFFFFFE, v13;
	v14 =	vld.idx.msk [tilespmem:v12+s15+$0x0], $0xffff  }
0x194: {  	v13 =	vbroadcast v13, $0x0  }
0x195: {  	v10 =	vld.idx.msk [tilespmem:v10+s15+$0x0], $0xffff  }
0x196: {  	v12 =	vld.idx.msk [tilespmem:v11+s15+$0x0], $0xffff;
	_ =	sdelay $0x1  }
0x197: {  	s29 =	simm.s32 $0x10100;
	v17 =	vshll.u32 v14, $0x7  }
0x198: {  	v15 =	vld [tilespmem:s29+$0x80];
	v18 =	vor.u32 v0, v17  }
0x199: {  	v11 =	vld.idx.msk [tilespmem:v13+s15+$0x0], $0xffff;
	v13 =	vshll.u32 v10, $0x7  }
0x19a: {  	v19 =	vld [tilespmem:s29+$0xFFFFFF00];
	v20 =	vor.u32 v0, v13;
	v16 =	vshll.u32 v12, $0x7  }
0x19b: {  	v21 =	vld [tilespmem:s29+$0xFFFFFF80];
	v22 =	vor.u32 v0, v16  }
0x19c: {  	v23 =	vld [tilespmem:s29+$0x0]  }
0x19d: {  	[tilespmem:v18+s3+$0x0] =	vst.idx.add.f32.msk $0xffff, v15  }
0x19e: {  	v18 =	vor.u32 v2, v17;
	v15 =	vshll.u32 v11, $0x7;
	v24 =	vld [tilespmem:s29+$0x90]  }
0x19f: {  	[tilespmem:v20+s3+$0x0] =	vst.idx.add.f32.msk $0xffff, v19;
	v19 =	vor.u32 v0, v15  }
0x1a0: {  	[tilespmem:v22+s3+$0x0] =	vst.idx.add.f32.msk $0xffff, v21  }
0x1a1: {  	v22 =	vld [tilespmem:s29+$0xFFFFFF10]  }
0x1a2: {  	v25 =	vor.u32 v2, v13;
	v20 =	vld [tilespmem:s29+$0xFFFFFF90]  }
0x1a3: {  	v21 =	vor.u32 v2, v16;
	[tilespmem:v18+s3+$0x0] =	vst.idx.add.f32.msk $0xffff, v24  }
0x1a4: {  	[tilespmem:v19+s3+$0x0] =	vst.idx.add.f32.msk $0xffff, v23  }
0x1a5: {  	v59 =	vor.u32 v3, v17;
	v18 =	vld [tilespmem:s29+$0xA0]  }
0x1a6: {  	v19 =	vld [tilespmem:s29+$0x10]  }
0x1a7: {  	[tilespmem:v25+s3+$0x0] =	vst.idx.add.f32.msk $0xffff, v22  }
0x1a8: {  	[tilespmem:v21+s3+$0x0] =	vst.idx.add.f32.msk $0xffff, v20;
	v20 =	vor.u32 v2, v15  }
0x1a9: {  	v22 =	vor.u32 v3, v13;
	v23 =	vld [tilespmem:s29+$0xFFFFFF20]  }
0x1aa: {  	[tilespmem:v59+s3+$0x0] =	vst.idx.add.f32.msk $0xffff, v18  }
0x1ab: {  	v21 =	vor.u32 v4, v17;
	v18 =	vld [tilespmem:s29+$0xB0]  }
0x1ac: {  	v60 =	vld [tilespmem:s29+$0xFFFFFFA0]  }
0x1ad: {  	v61 =	vor.u32 v3, v16;
	[tilespmem:v20+s3+$0x0] =	vst.idx.add.f32.msk $0xffff, v19  }
0x1ae: {  	[tilespmem:v22+s3+$0x0] =	vst.idx.add.f32.msk $0xffff, v23  }
0x1af: {  	v20 =	vor.u32 v3, v15;
	v19 =	vld [tilespmem:s29+$0x20]  }
0x1b0: {  	[tilespmem:v21+s3+$0x0] =	vst.idx.add.f32.msk $0xffff, v18  }
0x1b1: {  	v18 =	vld [tilespmem:s29+$0xFFFFFF30];
	v21 =	vor.u32 v4, v13  }
0x1b2: {  	[tilespmem:v61+s3+$0x0] =	vst.idx.add.f32.msk $0xffff, v60  }
0x1b3: {  	v22 =	vld [tilespmem:s29+$0xC0]  }
0x1b4: {  	[tilespmem:v20+s3+$0x0] =	vst.idx.add.f32.msk $0xffff, v19;
	v19 =	vor.u32 v5, v17  }
0x1b5: {  	v20 =	vld [tilespmem:s29+$0xFFFFFFB0]  }
0x1b6: {  	[tilespmem:v21+s3+$0x0] =	vst.idx.add.f32.msk $0xffff, v18;
	v18 =	vor.u32 v4, v16  }
0x1b7: {  	v63 =	vld [tilespmem:s29+$0x30]  }
0x1b8: {  	v62 =	vor.u32 v5, v13;
	v23 =	vld [tilespmem:s29+$0xFFFFFF40]  }
0x1b9: {  	[tilespmem:v19+s3+$0x0] =	vst.idx.add.f32.msk $0xffff, v22  }
0x1ba: {  	v22 =	vor.u32 v6, v17;
	v19 =	vld [tilespmem:s29+$0xD0]  }
0x1bb: {  	[tilespmem:v18+s3+$0x0] =	vst.idx.add.f32.msk $0xffff, v20  }
0x1bc: {  	v18 =	vor.u32 v4, v15;
	v21 =	vld [tilespmem:s29+$0xFFFFFFC0]  }
0x1bd: {  	[tilespmem:v62+s3+$0x0] =	vst.idx.add.f32.msk $0xffff, v23  }
0x1be: {  	v26 =	vor.u32 v6, v13;
	v24 =	vld [tilespmem:s29+$0xFFFFFF50]  }
0x1bf: {  	[tilespmem:v22+s3+$0x0] =	vst.idx.add.f32.msk $0xffff, v19  }
0x1c0: {  	v23 =	vor.u32 v5, v16;
	v20 =	vld [tilespmem:s29+$0xE0]  }
0x1c1: {  	[tilespmem:v18+s3+$0x0] =	vst.idx.add.f32.msk $0xffff, v63  }
0x1c2: {  	v22 =	vor.u32 v7, v17;
	v19 =	vld [tilespmem:s29+$0x40]  }
0x1c3: {  	s31 =	simm.s32 $0x4;
	s30 =	simm.s32 $0x10100;
	v18 =	vor.u32 v5, v15;
	[tilespmem:v26+s3+$0x0] =	vst.idx.add.f32.msk $0xffff, v24  }
.LBB2_8:
0x1c4: {  	s0 =	smov.u32 s31  }
0x1c5: {  	s4 =	sadd.s32 s28, s31;
	[tilespmem:v23+s3+$0x0] =	vst.idx.add.f32.msk $0xffff, v21;
	s29 =	sadd.s32 $0x200, s29;
	s0 =	sadd.s32 $0x4, s31  }
0x1c6: {  	v17 =	vor.u32 v8, v17;
	v21 =	vmov s4;
	s19 =	sadd.s32 $0x1, s4;
	s9 =	sadd.s32 $0x2, s4;
	s4 =	sadd.s32 $0x3, s4;
	v23 =	vld [tilespmem:s29+$0xFFFFFF80]  }
0x1c7: {  	p1 =	slt.u32 s31, $0x7C;
	v21 =	vand.u32 $0xFFFFFFFC, v21;
	v24 =	vmov s19;
	v25 =	vmov s9;
	[tilespmem:v22+s3+$0x0] =	vst.idx.add.f32.msk $0xffff, v20  }
0x1c8: {  	v20 =	vbroadcast v21, $0x0;
	v21 =	vand.u32 $0xFFFFFFFD, v24;
	v22 =	vand.u32 $0xFFFFFFFE, v25;
	v24 =	vld [tilespmem:s30+$0xF0]  }
0x1c9: {  	v21 =	vbroadcast v21, $0x0;
	v25 =	vld [tilespmem:s30+$0xFFFFFFD0]  }
0x1ca: {  	v26 =	vor.u32 v6, v16;
	v22 =	vbroadcast v22, $0x0;
	[tilespmem:v18+s3+$0x0] =	vst.idx.add.f32.msk $0xffff, v19  }
0x1cb: {  	v18 =	vld [tilespmem:s30+$0x50]  }
0x1cc: {  	v27 =	vor.u32 v6, v15;
	v19 =	vld [tilespmem:s29+$0x80]  }
0x1cd: {  	[tilespmem:v17+s3+$0x0] =	vst.idx.add.f32.msk $0xffff, v24  }
0x1ce: {  	v17 =	vmov s4;
	[tilespmem:v14+s22+$0x0] =	vst.idx.add.f32.msk $0x1, v9  }
0x1cf: {  	[tilespmem:v26+s3+$0x0] =	vst.idx.add.f32.msk $0xffff, v25  }
0x1d0: {  	v22 =	vld.idx.msk [tilespmem:v22+s15+$0x0], $0xffff  }
0x1d1: {  	[tilespmem:v27+s3+$0x0] =	vst.idx.add.f32.msk $0xffff, v18  }
0x1d2: {  	v24 =	vld [tilespmem:s29+$0x0]  }
0x1d3: {  	v25 =	vor.u32 v7, v15;
	v18 =	vld [tilespmem:s30+$0x60]  }
0x1d4: {  	v27 =	vor.u32 v7, v16;
	v26 =	vld [tilespmem:s30+$0xFFFFFFE0]  }
0x1d5: {  	v20 =	vld.idx.msk [tilespmem:v20+s15+$0x0], $0xffff  }
0x1d6: {  	v28 =	vld [tilespmem:s30+$0xFFFFFF60]  }
0x1d7: {  	v14 =	vld.idx.msk [tilespmem:v17+s15+$0x0], $0xffff;
	v17 =	vor.u32 v7, v13  }
0x1d8: {  	[tilespmem:v25+s3+$0x0] =	vst.idx.add.f32.msk $0xffff, v18  }
0x1d9: {  	[tilespmem:v27+s3+$0x0] =	vst.idx.add.f32.msk $0xffff, v26  }
0x1da: {  	v16 =	vor.u32 v8, v16;
	v25 =	vshll.u32 v22, $0x7;
	v26 =	vld [tilespmem:s30+$0xFFFFFFF0]  }
0x1db: {  	v27 =	vor.u32 v0, v25;
	v18 =	vor.u32 v5, v25;
	v21 =	vld.idx.msk [tilespmem:v21+s15+$0x0], $0xffff  }
0x1dc: {  	[tilespmem:v17+s3+$0x0] =	vst.idx.add.f32.msk $0xffff, v28  }
0x1dd: {  	v29 =	vor.u32 v8, v15;
	v15 =	vmov v25;
	v28 =	vld [tilespmem:s30+$0x70]  }
0x1de: {  	v30 =	vor.u32 v8, v13;
	v17 =	vshll.u32 v14, $0x7;
	v25 =	vld [tilespmem:s30+$0xFFFFFF70];
	s30 =	smov.u32 s29  }
0x1df: {  	v13 =	vshll.u32 v20, $0x7;
	v31 =	vor.u32 v0, v17;
	[tilespmem:v16+s3+$0x0] =	vst.idx.add.f32.msk $0xffff, v26  }
0x1e0: {  	v26 =	vld [tilespmem:s29+$0xFFFFFF00]  }
0x1e1: {  	v32 =	vor.u32 v0, v13;
	v16 =	vshll.u32 v21, $0x7;
	[tilespmem:v12+s22+$0x0] =	vst.idx.add.f32.msk $0x1, v9;
	v12 =	vmov v21  }
0x1e2: {  	[tilespmem:v29+s3+$0x0] =	vst.idx.add.f32.msk $0xffff, v28  }
0x1e3: {  	v21 =	vor.u32 v0, v16;
	[tilespmem:v30+s3+$0x0] =	vst.idx.add.f32.msk $0xffff, v25  }
0x1e4: {  	[tilespmem:v10+s22+$0x0] =	vst.idx.add.f32.msk $0x1, v9;
	v10 =	vmov v20  }
0x1e5: {  	[tilespmem:v11+s22+$0x0] =	vst.idx.add.f32.msk $0x1, v9;
	v11 =	vmov v22  }
0x1e6: {  	[tilespmem:v31+s3+$0x0] =	vst.idx.add.f32.msk $0xffff, v19;
	v19 =	vor.u32 v2, v17  }
0x1e7: {  	v20 =	vld [tilespmem:s29+$0x90]  }
0x1e8: {  	v22 =	vor.u32 v2, v13;
	[tilespmem:v32+s3+$0x0] =	vst.idx.add.f32.msk $0xffff, v26  }
0x1e9: {  	[tilespmem:v21+s3+$0x0] =	vst.idx.add.f32.msk $0xffff, v23  }
0x1ea: {  	v23 =	vor.u32 v2, v16;
	v21 =	vld [tilespmem:s29+$0xFFFFFF90]  }
0x1eb: {  	v25 =	vld [tilespmem:s29+$0xFFFFFF10]  }
0x1ec: {  	[tilespmem:v19+s3+$0x0] =	vst.idx.add.f32.msk $0xffff, v20  }
0x1ed: {  	v20 =	vor.u32 v3, v17;
	v19 =	vld [tilespmem:s29+$0xA0]  }
0x1ee: {  	[tilespmem:v27+s3+$0x0] =	vst.idx.add.f32.msk $0xffff, v24  }
0x1ef: {  	v24 =	vor.u32 v3, v13;
	[tilespmem:v23+s3+$0x0] =	vst.idx.add.f32.msk $0xffff, v21  }
0x1f0: {  	v21 =	vld [tilespmem:s29+$0x10]  }
0x1f1: {  	[tilespmem:v22+s3+$0x0] =	vst.idx.add.f32.msk $0xffff, v25;
	v22 =	vor.u32 v2, v15  }
0x1f2: {  	[tilespmem:v20+s3+$0x0] =	vst.idx.add.f32.msk $0xffff, v19  }
0x1f3: {  	v20 =	vor.u32 v4, v17;
	v19 =	vld [tilespmem:s29+$0xB0]  }
0x1f4: {  	v23 =	vld [tilespmem:s29+$0xFFFFFF20]  }
0x1f5: {  	v25 =	vld [tilespmem:s29+$0xFFFFFFA0]  }
0x1f6: {  	[tilespmem:v22+s3+$0x0] =	vst.idx.add.f32.msk $0xffff, v21  }
0x1f7: {  	v22 =	vor.u32 v3, v15;
	v21 =	vld [tilespmem:s29+$0x20]  }
0x1f8: {  	v26 =	vor.u32 v3, v16;
	[tilespmem:v20+s3+$0x0] =	vst.idx.add.f32.msk $0xffff, v19  }
0x1f9: {  	[tilespmem:v24+s3+$0x0] =	vst.idx.add.f32.msk $0xffff, v23  }
0x1fa: {  	v20 =	vor.u32 v4, v13;
	v19 =	vld [tilespmem:s29+$0xFFFFFF30]  }
0x1fb: {  	v23 =	vld [tilespmem:s29+$0xC0]  }
0x1fc: {  	[tilespmem:v22+s3+$0x0] =	vst.idx.add.f32.msk $0xffff, v21  }
0x1fd: {  	v21 =	vor.u32 v5, v17;
	[tilespmem:v26+s3+$0x0] =	vst.idx.add.f32.msk $0xffff, v25  }
0x1fe: {  	v22 =	vld [tilespmem:s29+$0xFFFFFFB0]  }
0x1ff: {  	[tilespmem:v20+s3+$0x0] =	vst.idx.add.f32.msk $0xffff, v19;
	v19 =	vor.u32 v4, v16  }
0x200: {  	v20 =	vld [tilespmem:s29+$0xFFFFFF40]  }
0x201: {  	v24 =	vor.u32 v5, v13;
	v25 =	vld [tilespmem:s29+$0x30]  }
0x202: {  	[tilespmem:v21+s3+$0x0] =	vst.idx.add.f32.msk $0xffff, v23  }
0x203: {  	v27 =	vor.u32 v6, v17;
	v26 =	vld [tilespmem:s29+$0xD0]  }
0x204: {  	[tilespmem:v19+s3+$0x0] =	vst.idx.add.f32.msk $0xffff, v22  }
0x205: {  	v19 =	vor.u32 v4, v15;
	v21 =	vld [tilespmem:s29+$0xFFFFFFC0]  }
0x206: {  	[tilespmem:v24+s3+$0x0] =	vst.idx.add.f32.msk $0xffff, v20  }
0x207: {  	v28 =	vor.u32 v6, v13;
	v24 =	vld [tilespmem:s29+$0xFFFFFF50]  }
.Ltmp9:
0x208: {  	v23 =	vor.u32 v5, v16;
	[tilespmem:v27+s3+$0x0] =	vst.idx.add.f32.msk $0xffff, v26;
	(pc) =	sbr.rel @p1 .LBB2_8-.Ltmp9, $4  }
0x209: {  	v20 =	vld [tilespmem:s29+$0xE0]  }
0x20a: {  	v22 =	vor.u32 v7, v17;
	[tilespmem:v19+s3+$0x0] =	vst.idx.add.f32.msk $0xffff, v25  }
0x20b: {  	v19 =	vld [tilespmem:s29+$0x40]  }
0x20c: {  	s31 =	smov.u32 s0;
	[tilespmem:v28+s3+$0x0] =	vst.idx.add.f32.msk $0xffff, v24  }
0x20d: {  	_ =	sdelay $0x3  }
0x20e: {  	[tilespmem:v23+s3+$0x0] =	vst.idx.add.f32.msk $0xffff, v21  }
0x20f: {  	v23 =	vor.u32 v6, v16;
	v21 =	vld [tilespmem:s30+$0xFFFFFFD0]  }
0x210: {  	[tilespmem:v22+s3+$0x0] =	vst.idx.add.f32.msk $0xffff, v20  }
0x211: {  	[tilespmem:v18+s3+$0x0] =	vst.idx.add.f32.msk $0xffff, v19  }
0x212: {  	v19 =	vor.u32 v6, v15;
	v18 =	vld [tilespmem:s30+$0x50]  }
0x213: {  	v20 =	vld [tilespmem:s30+$0xF0]  }
0x214: {  	v17 =	vor.u32 v8, v17;
	[tilespmem:v23+s3+$0x0] =	vst.idx.add.f32.msk $0xffff, v21  }
0x215: {  	v24 =	vor.u32 v7, v13;
	v23 =	vld [tilespmem:s30+$0xFFFFFF60]  }
0x216: {  	v22 =	vor.u32 v7, v16;
	v21 =	vld [tilespmem:s30+$0xFFFFFFE0]  }
0x217: {  	[tilespmem:v19+s3+$0x0] =	vst.idx.add.f32.msk $0xffff, v18  }
0x218: {  	v19 =	vor.u32 v7, v15;
	v18 =	vld [tilespmem:s30+$0x60]  }
0x219: {  	[tilespmem:v17+s3+$0x0] =	vst.idx.add.f32.msk $0xffff, v20  }
0x21a: {  	[tilespmem:v24+s3+$0x0] =	vst.idx.add.f32.msk $0xffff, v23  }
0x21b: {  	[tilespmem:v22+s3+$0x0] =	vst.idx.add.f32.msk $0xffff, v21  }
0x21c: {  	v16 =	vor.u32 v8, v16;
	v17 =	vld [tilespmem:s30+$0xFFFFFFF0]  }
0x21d: {  	[tilespmem:v19+s3+$0x0] =	vst.idx.add.f32.msk $0xffff, v18  }
0x21e: {  	v13 =	vor.u32 v8, v13;
	v19 =	vld [tilespmem:s30+$0xFFFFFF70]  }
0x21f: {  	v15 =	vor.u32 v8, v15;
	v18 =	vld [tilespmem:s30+$0x70]  }
0x220: {  	[tilespmem:v14+s22+$0x0] =	vst.idx.add.f32.msk $0x1, v9  }
0x221: {  	[tilespmem:v16+s3+$0x0] =	vst.idx.add.f32.msk $0xffff, v17  }
0x222: {  	p1 =	seq.s32 s25, $0x7;
	[tilespmem:v12+s22+$0x0] =	vst.idx.add.f32.msk $0x1, v9  }
0x223: {  	s26 =	sshll.u32 s26, $0x7;
	s0 =	sshll.u32 @!p1 s25, $0x10;
	[tilespmem:v13+s3+$0x0] =	vst.idx.add.f32.msk $0xffff, v19  }
0x224: {  	s4 =	sadd.s32 $0x0, s26;
	s28 =	simm.s32 @!p1 $0x400;
	s0 =	sadd.s32 @!p1 s0, s11;
	[tilespmem:v15+s3+$0x0] =	vst.idx.add.f32.msk $0xffff, v18  }
0x225: {  	s9 =	sadd.s32 $0x1, s4;
	s19 =	sadd.s32 $0x3, s4;
	s0 =	sshrl.u32 @!p1 s0, $0x3;
	[tilespmem:v10+s22+$0x0] =	vst.idx.add.f32.msk $0x1, v9;
	v10 =	vmov s4  }
0x226: {  	s0 =	sadd.s32 @!p1 s1, s0;
	v12 =	vmov s19;
	s19 =	simm.s32 @!p1 $0x10000;
	[tilespmem:v11+s22+$0x0] =	vst.idx.add.f32.msk $0x1, v9;
	v11 =	vmov s9;
	s9 =	simm.s32 @!p1 $0x800;
	v10 =	vand.u32 $0xFFFFFFFC, v10  }
0x227: {  	[tilespmem:s19], [sflag:$0x1] =	stream.strided.gather @!p1 [hbm4b:s0+s28], $0x4000, s9, s28, $0x38;
	v10 =	vbroadcast v10, $0x0;
	v11 =	vand.u32 $0xFFFFFFFD, v11;
	[tilespmem:$0x18A00] =	vst v63  }
0x228: {  	_ =	swait.ge [sflag:s23], $0x4000;
	v11 =	vbroadcast v11, $0x0  }
0x229: {  	s31 =	sadd.s32 $0x2, s4;
	[sflag:s23] =	ssyncset.done $0x0  }
0x22a: {  	v13 =	vmov s31;
	[sflag:s23] =	ssyncadd.s32 $0xFFFFC000  }
0x22b: {  	v13 =	vand.u32 $0xFFFFFFFE, v13;
	v14 =	vld.idx.msk [tilespmem:v12+s15+$0x0], $0xffff  }
0x22c: {  	v13 =	vbroadcast v13, $0x0  }
0x22d: {  	v10 =	vld.idx.msk [tilespmem:v10+s15+$0x0], $0xffff  }
0x22e: {  	v12 =	vld.idx.msk [tilespmem:v11+s15+$0x0], $0xffff;
	_ =	sdelay $0x1  }
0x22f: {  	s28 =	simm.s32 $0x14100;
	v17 =	vshll.u32 v14, $0x7  }
0x230: {  	v15 =	vld [tilespmem:s28+$0x80];
	v18 =	vor.u32 v0, v17  }
0x231: {  	v11 =	vld.idx.msk [tilespmem:v13+s15+$0x0], $0xffff;
	v13 =	vshll.u32 v10, $0x7  }
0x232: {  	v19 =	vld [tilespmem:s28+$0xFFFFFF00];
	v20 =	vor.u32 v0, v13;
	v16 =	vshll.u32 v12, $0x7  }
0x233: {  	v21 =	vld [tilespmem:s28+$0xFFFFFF80];
	v22 =	vor.u32 v0, v16  }
0x234: {  	v23 =	vld [tilespmem:s28+$0x0]  }
0x235: {  	[tilespmem:v18+s3+$0x0] =	vst.idx.add.f32.msk $0xffff, v15  }
0x236: {  	v18 =	vor.u32 v2, v17;
	v58 =	vld [tilespmem:s28+$0x90]  }
0x237: {  	v15 =	vshll.u32 v11, $0x7;
	[tilespmem:v20+s3+$0x0] =	vst.idx.add.f32.msk $0xffff, v19  }
0x238: {  	v19 =	vor.u32 v0, v15;
	[tilespmem:v22+s3+$0x0] =	vst.idx.add.f32.msk $0xffff, v21  }
0x239: {  	v22 =	vld [tilespmem:s28+$0xFFFFFF10]  }
0x23a: {  	v25 =	vor.u32 v2, v13;
	v20 =	vld [tilespmem:s28+$0xFFFFFF90]  }
0x23b: {  	v21 =	vor.u32 v2, v16;
	[tilespmem:v18+s3+$0x0] =	vst.idx.add.f32.msk $0xffff, v58  }
0x23c: {  	v18 =	vld [tilespmem:s28+$0xA0]  }
0x23d: {  	v59 =	vor.u32 v3, v17;
	[tilespmem:v19+s3+$0x0] =	vst.idx.add.f32.msk $0xffff, v23  }
0x23e: {  	v19 =	vld [tilespmem:s28+$0x10]  }
0x23f: {  	[tilespmem:v25+s3+$0x0] =	vst.idx.add.f32.msk $0xffff, v22  }
0x240: {  	[tilespmem:v21+s3+$0x0] =	vst.idx.add.f32.msk $0xffff, v20;
	v20 =	vor.u32 v2, v15  }
0x241: {  	v22 =	vor.u32 v3, v13;
	v23 =	vld [tilespmem:s28+$0xFFFFFF20]  }
0x242: {  	[tilespmem:v59+s3+$0x0] =	vst.idx.add.f32.msk $0xffff, v18  }
0x243: {  	v21 =	vor.u32 v4, v17;
	v18 =	vld [tilespmem:s28+$0xB0]  }
0x244: {  	v60 =	vld [tilespmem:s28+$0xFFFFFFA0]  }
0x245: {  	v61 =	vor.u32 v3, v16;
	[tilespmem:v20+s3+$0x0] =	vst.idx.add.f32.msk $0xffff, v19  }
0x246: {  	[tilespmem:v22+s3+$0x0] =	vst.idx.add.f32.msk $0xffff, v23  }
0x247: {  	v20 =	vor.u32 v3, v15;
	v19 =	vld [tilespmem:s28+$0x20]  }
0x248: {  	[tilespmem:v21+s3+$0x0] =	vst.idx.add.f32.msk $0xffff, v18  }
0x249: {  	v18 =	vld [tilespmem:s28+$0xFFFFFF30];
	v21 =	vor.u32 v4, v13  }
0x24a: {  	[tilespmem:v61+s3+$0x0] =	vst.idx.add.f32.msk $0xffff, v60  }
0x24b: {  	v22 =	vld [tilespmem:s28+$0xC0]  }
0x24c: {  	[tilespmem:v20+s3+$0x0] =	vst.idx.add.f32.msk $0xffff, v19;
	v19 =	vor.u32 v5, v17  }
0x24d: {  	v20 =	vld [tilespmem:s28+$0xFFFFFFB0]  }
0x24e: {  	[tilespmem:v21+s3+$0x0] =	vst.idx.add.f32.msk $0xffff, v18;
	v18 =	vor.u32 v4, v16  }
0x24f: {  	v63 =	vld [tilespmem:s28+$0x30]  }
0x250: {  	v62 =	vor.u32 v5, v13;
	v23 =	vld [tilespmem:s28+$0xFFFFFF40]  }
0x251: {  	[tilespmem:v19+s3+$0x0] =	vst.idx.add.f32.msk $0xffff, v22  }
0x252: {  	v22 =	vor.u32 v6, v17;
	v19 =	vld [tilespmem:s28+$0xD0]  }
0x253: {  	[tilespmem:v18+s3+$0x0] =	vst.idx.add.f32.msk $0xffff, v20  }
0x254: {  	v18 =	vor.u32 v4, v15;
	v21 =	vld [tilespmem:s28+$0xFFFFFFC0]  }
0x255: {  	[tilespmem:v62+s3+$0x0] =	vst.idx.add.f32.msk $0xffff, v23  }
0x256: {  	v26 =	vor.u32 v6, v13;
	v24 =	vld [tilespmem:s28+$0xFFFFFF50]  }
0x257: {  	[tilespmem:v22+s3+$0x0] =	vst.idx.add.f32.msk $0xffff, v19  }
0x258: {  	v23 =	vor.u32 v5, v16;
	v20 =	vld [tilespmem:s28+$0xE0]  }
0x259: {  	[tilespmem:v18+s3+$0x0] =	vst.idx.add.f32.msk $0xffff, v63  }
0x25a: {  	v22 =	vor.u32 v7, v17;
	v19 =	vld [tilespmem:s28+$0x40]  }
0x25b: {  	s29 =	simm.s32 $0x14100;
	s0 =	simm.s32 $0x4;
	v18 =	vor.u32 v5, v15;
	[tilespmem:v26+s3+$0x0] =	vst.idx.add.f32.msk $0xffff, v24  }
.LBB2_10:
0x25c: {  	s4 =	sadd.s32 s26, s0  }
0x25d: {  	[tilespmem:v23+s3+$0x0] =	vst.idx.add.f32.msk $0xffff, v21;
	s28 =	sadd.s32 $0x200, s28;
	s9 =	smov.u32 s0;
	s30 =	sadd.s32 $0x4, s0  }
0x25e: {  	v17 =	vor.u32 v8, v17;
	v21 =	vmov s4;
	s9 =	sadd.s32 $0x1, s4;
	v23 =	vld [tilespmem:s28+$0xFFFFFF80];
	s19 =	sadd.s32 $0x2, s4;
	s4 =	sadd.s32 $0x3, s4  }
0x25f: {  	p1 =	slt.u32 s0, $0x7C;
	v21 =	vand.u32 $0xFFFFFFFC, v21;
	v24 =	vmov s9;
	v25 =	vmov s19;
	[tilespmem:v22+s3+$0x0] =	vst.idx.add.f32.msk $0xffff, v20  }
0x260: {  	v20 =	vbroadcast v21, $0x0;
	v21 =	vand.u32 $0xFFFFFFFD, v24;
	v22 =	vand.u32 $0xFFFFFFFE, v25;
	v24 =	vld [tilespmem:s29+$0xF0]  }
0x261: {  	v21 =	vbroadcast v21, $0x0;
	v25 =	vld [tilespmem:s29+$0xFFFFFFD0]  }
0x262: {  	v26 =	vor.u32 v6, v16;
	v22 =	vbroadcast v22, $0x0;
	[tilespmem:v18+s3+$0x0] =	vst.idx.add.f32.msk $0xffff, v19  }
0x263: {  	v18 =	vld [tilespmem:s29+$0x50]  }
0x264: {  	v27 =	vor.u32 v6, v15;
	v19 =	vld [tilespmem:s28+$0x80]  }
0x265: {  	[tilespmem:v17+s3+$0x0] =	vst.idx.add.f32.msk $0xffff, v24  }
0x266: {  	v17 =	vmov s4;
	[tilespmem:v14+s22+$0x0] =	vst.idx.add.f32.msk $0x1, v9  }
0x267: {  	[tilespmem:v26+s3+$0x0] =	vst.idx.add.f32.msk $0xffff, v25  }
0x268: {  	v22 =	vld.idx.msk [tilespmem:v22+s15+$0x0], $0xffff  }
0x269: {  	[tilespmem:v27+s3+$0x0] =	vst.idx.add.f32.msk $0xffff, v18  }
0x26a: {  	v24 =	vld [tilespmem:s28+$0x0]  }
0x26b: {  	v25 =	vor.u32 v7, v15;
	v18 =	vld [tilespmem:s29+$0x60]  }
0x26c: {  	v27 =	vor.u32 v7, v16;
	v26 =	vld [tilespmem:s29+$0xFFFFFFE0]  }
0x26d: {  	v20 =	vld.idx.msk [tilespmem:v20+s15+$0x0], $0xffff  }
0x26e: {  	v28 =	vld [tilespmem:s29+$0xFFFFFF60]  }
0x26f: {  	v14 =	vld.idx.msk [tilespmem:v17+s15+$0x0], $0xffff;
	v17 =	vor.u32 v7, v13  }
0x270: {  	[tilespmem:v25+s3+$0x0] =	vst.idx.add.f32.msk $0xffff, v18  }
0x271: {  	[tilespmem:v27+s3+$0x0] =	vst.idx.add.f32.msk $0xffff, v26  }
0x272: {  	v16 =	vor.u32 v8, v16;
	v25 =	vshll.u32 v22, $0x7;
	v26 =	vld [tilespmem:s29+$0xFFFFFFF0]  }
0x273: {  	v27 =	vor.u32 v0, v25;
	v18 =	vor.u32 v5, v25;
	v21 =	vld.idx.msk [tilespmem:v21+s15+$0x0], $0xffff  }
0x274: {  	[tilespmem:v17+s3+$0x0] =	vst.idx.add.f32.msk $0xffff, v28  }
0x275: {  	v29 =	vor.u32 v8, v15;
	v15 =	vmov v25;
	v28 =	vld [tilespmem:s29+$0x70]  }
0x276: {  	v30 =	vor.u32 v8, v13;
	v17 =	vshll.u32 v14, $0x7;
	v25 =	vld [tilespmem:s29+$0xFFFFFF70];
	s29 =	smov.u32 s28  }
0x277: {  	v13 =	vshll.u32 v20, $0x7;
	v31 =	vor.u32 v0, v17;
	[tilespmem:v16+s3+$0x0] =	vst.idx.add.f32.msk $0xffff, v26  }
0x278: {  	v26 =	vld [tilespmem:s28+$0xFFFFFF00]  }
0x279: {  	v32 =	vor.u32 v0, v13;
	v16 =	vshll.u32 v21, $0x7;
	[tilespmem:v12+s22+$0x0] =	vst.idx.add.f32.msk $0x1, v9;
	v12 =	vmov v21  }
0x27a: {  	[tilespmem:v29+s3+$0x0] =	vst.idx.add.f32.msk $0xffff, v28  }
0x27b: {  	v21 =	vor.u32 v0, v16;
	[tilespmem:v30+s3+$0x0] =	vst.idx.add.f32.msk $0xffff, v25  }
0x27c: {  	[tilespmem:v10+s22+$0x0] =	vst.idx.add.f32.msk $0x1, v9;
	v10 =	vmov v20  }
0x27d: {  	[tilespmem:v11+s22+$0x0] =	vst.idx.add.f32.msk $0x1, v9;
	v11 =	vmov v22  }
0x27e: {  	[tilespmem:v31+s3+$0x0] =	vst.idx.add.f32.msk $0xffff, v19;
	v19 =	vor.u32 v2, v17  }
0x27f: {  	v20 =	vld [tilespmem:s28+$0x90]  }
0x280: {  	v22 =	vor.u32 v2, v13;
	[tilespmem:v32+s3+$0x0] =	vst.idx.add.f32.msk $0xffff, v26  }
0x281: {  	[tilespmem:v21+s3+$0x0] =	vst.idx.add.f32.msk $0xffff, v23  }
0x282: {  	v23 =	vor.u32 v2, v16;
	v21 =	vld [tilespmem:s28+$0xFFFFFF90]  }
0x283: {  	v25 =	vld [tilespmem:s28+$0xFFFFFF10]  }
0x284: {  	[tilespmem:v19+s3+$0x0] =	vst.idx.add.f32.msk $0xffff, v20  }
0x285: {  	v20 =	vor.u32 v3, v17;
	v19 =	vld [tilespmem:s28+$0xA0]  }
0x286: {  	[tilespmem:v27+s3+$0x0] =	vst.idx.add.f32.msk $0xffff, v24  }
0x287: {  	v24 =	vor.u32 v3, v13;
	[tilespmem:v23+s3+$0x0] =	vst.idx.add.f32.msk $0xffff, v21  }
0x288: {  	v21 =	vld [tilespmem:s28+$0x10]  }
0x289: {  	[tilespmem:v22+s3+$0x0] =	vst.idx.add.f32.msk $0xffff, v25;
	v22 =	vor.u32 v2, v15  }
0x28a: {  	[tilespmem:v20+s3+$0x0] =	vst.idx.add.f32.msk $0xffff, v19  }
0x28b: {  	v20 =	vor.u32 v4, v17;
	v19 =	vld [tilespmem:s28+$0xB0]  }
0x28c: {  	v23 =	vld [tilespmem:s28+$0xFFFFFF20]  }
0x28d: {  	v25 =	vld [tilespmem:s28+$0xFFFFFFA0]  }
0x28e: {  	[tilespmem:v22+s3+$0x0] =	vst.idx.add.f32.msk $0xffff, v21  }
0x28f: {  	v22 =	vor.u32 v3, v15;
	v21 =	vld [tilespmem:s28+$0x20]  }
0x290: {  	v26 =	vor.u32 v3, v16;
	[tilespmem:v20+s3+$0x0] =	vst.idx.add.f32.msk $0xffff, v19  }
0x291: {  	[tilespmem:v24+s3+$0x0] =	vst.idx.add.f32.msk $0xffff, v23  }
0x292: {  	v20 =	vor.u32 v4, v13;
	v19 =	vld [tilespmem:s28+$0xFFFFFF30]  }
0x293: {  	v23 =	vld [tilespmem:s28+$0xC0]  }
0x294: {  	[tilespmem:v22+s3+$0x0] =	vst.idx.add.f32.msk $0xffff, v21  }
0x295: {  	v21 =	vor.u32 v5, v17;
	[tilespmem:v26+s3+$0x0] =	vst.idx.add.f32.msk $0xffff, v25  }
0x296: {  	v22 =	vld [tilespmem:s28+$0xFFFFFFB0]  }
0x297: {  	[tilespmem:v20+s3+$0x0] =	vst.idx.add.f32.msk $0xffff, v19;
	v19 =	vor.u32 v4, v16  }
0x298: {  	v20 =	vld [tilespmem:s28+$0xFFFFFF40]  }
0x299: {  	v24 =	vor.u32 v5, v13;
	v25 =	vld [tilespmem:s28+$0x30]  }
0x29a: {  	[tilespmem:v21+s3+$0x0] =	vst.idx.add.f32.msk $0xffff, v23  }
0x29b: {  	v27 =	vor.u32 v6, v17;
	v26 =	vld [tilespmem:s28+$0xD0]  }
0x29c: {  	[tilespmem:v19+s3+$0x0] =	vst.idx.add.f32.msk $0xffff, v22  }
0x29d: {  	v19 =	vor.u32 v4, v15;
	v21 =	vld [tilespmem:s28+$0xFFFFFFC0]  }
0x29e: {  	[tilespmem:v24+s3+$0x0] =	vst.idx.add.f32.msk $0xffff, v20  }
0x29f: {  	v28 =	vor.u32 v6, v13;
	v24 =	vld [tilespmem:s28+$0xFFFFFF50]  }
.Ltmp10:
0x2a0: {  	v23 =	vor.u32 v5, v16;
	[tilespmem:v27+s3+$0x0] =	vst.idx.add.f32.msk $0xffff, v26;
	(pc) =	sbr.rel @p1 .LBB2_10-.Ltmp10, $4  }
0x2a1: {  	v20 =	vld [tilespmem:s28+$0xE0]  }
0x2a2: {  	v22 =	vor.u32 v7, v17;
	[tilespmem:v19+s3+$0x0] =	vst.idx.add.f32.msk $0xffff, v25  }
0x2a3: {  	v19 =	vld [tilespmem:s28+$0x40]  }
0x2a4: {  	s0 =	smov.u32 s30;
	[tilespmem:v28+s3+$0x0] =	vst.idx.add.f32.msk $0xffff, v24  }
0x2a5: {  	_ =	sdelay $0x3  }
0x2a6: {  	[tilespmem:v23+s3+$0x0] =	vst.idx.add.f32.msk $0xffff, v21  }
0x2a7: {  	v58 =	vld [tilespmem:s29+$0xFFFFFF60]  }
0x2a8: {  	v24 =	vor.u32 v7, v13;
	v21 =	vld [tilespmem:s29+$0xFFFFFFD0]  }
0x2a9: {  	v54 =	vor.u32 v6, v16;
	[tilespmem:v22+s3+$0x0] =	vst.idx.add.f32.msk $0xffff, v20  }
0x2aa: {  	v20 =	vld [tilespmem:s29+$0xF0]  }
0x2ab: {  	[tilespmem:v18+s3+$0x0] =	vst.idx.add.f32.msk $0xffff, v19  }
0x2ac: {  	v55 =	vor.u32 v6, v15;
	v18 =	vld [tilespmem:s29+$0x50]  }
0x2ad: {  	[tilespmem:v24+s3+$0x0] =	vst.idx.add.f32.msk $0xffff, v58  }
0x2ae: {  	v17 =	vor.u32 v8, v17;
	[tilespmem:v54+s3+$0x0] =	vst.idx.add.f32.msk $0xffff, v21  }
0x2af: {  	v62 =	vld [tilespmem:s29+$0xFFFFFF70]  }
0x2b0: {  	v57 =	vor.u32 v7, v16;
	v21 =	vld [tilespmem:s29+$0xFFFFFFE0]  }
0x2b1: {  	[tilespmem:v55+s3+$0x0] =	vst.idx.add.f32.msk $0xffff, v18  }
0x2b2: {  	v56 =	vor.u32 v7, v15;
	v18 =	vld [tilespmem:s29+$0x60]  }
0x2b3: {  	[tilespmem:v17+s3+$0x0] =	vst.idx.add.f32.msk $0xffff, v20  }
0x2b4: {  	v63 =	vor.u32 v8, v13;
	[tilespmem:v14+s22+$0x0] =	vst.idx.add.f32.msk $0x1, v9  }
0x2b5: {  	[tilespmem:v57+s3+$0x0] =	vst.idx.add.f32.msk $0xffff, v21  }
0x2b6: {  	v60 =	vor.u32 v8, v16;
	v59 =	vld [tilespmem:s29+$0xFFFFFFF0]  }
0x2b7: {  	[tilespmem:v56+s3+$0x0] =	vst.idx.add.f32.msk $0xffff, v18  }
0x2b8: {  	v61 =	vor.u32 v8, v15;
	s25 =	sadd.s32 $0x1, s25;
	v18 =	vld [tilespmem:s29+$0x70]  }
0x2b9: {  	p1 =	seq.s32 s25, $0x8;
	[tilespmem:v63+s3+$0x0] =	vst.idx.add.f32.msk $0xffff, v62  }
.Ltmp11:
0x2ba: {  	[tilespmem:v10+s22+$0x0] =	vst.idx.add.f32.msk $0x1, v9;
	(pc) =	sbr.rel @!p1 .LBB2_7-.Ltmp11, $4  }
0x2bb: {  	[tilespmem:v60+s3+$0x0] =	vst.idx.add.f32.msk $0xffff, v59  }
0x2bc: {  	[tilespmem:v12+s22+$0x0] =	vst.idx.add.f32.msk $0x1, v9  }
0x2bd: {  	[tilespmem:v61+s3+$0x0] =	vst.idx.add.f32.msk $0xffff, v18  }
0x2be: {  	[tilespmem:v11+s22+$0x0] =	vst.idx.add.f32.msk $0x1, v9  }
.Ltmp12:
0x2bf: {  	(pc) =	sbr.rel .LBB2_20-.Ltmp12, $2  }
0x2c0: {  	_ =	sdelay $0x2  }
0x2c1: {  	s0 =	stileid.u32  }
.LBB2_21:
0x2c2: {  	_ =	sfence.sel $0x180000  }
0x2c3: {  	[bflag:$0x0] =	sbarrier.arrive $0xFFFF  }
0x2c4: {  	_ =	strace $0x90000047  }
0x2c5: {  	s0 =	stileid.u32;
	[bflag:$0x2] =	sbarrier.arrive $0xFFFF  }
0x2c6: {  	p0 =	sne.s32 s0, $0x0;
	s0 =	rddreg [dreg:$0x5]  }
0x2c7: {  	s0 =	sadd.s32 @!p0 $0x100000, s0  }
0x2c8: {  	[sflag:s0] =	ssyncadd.tile.s32 @!p0 $0x1;
	_ =	shalt  }
.Lfunc_end2:
_tile_overlayer_lowered:
.L_overlay_start_2:
0x2c9: {  	(tag) =	ssettag $0x2  }
0x2ca: {  	s0 =	rddreg [dreg:$0x0];
	s2 =	stileid.u32  }
0x2cb: {  	s1 =	rddreg [dreg:$0x1];
	p0 =	sne.s32 s2, $0x0  }
0x2cc: {  	s3 =	rddreg [dreg:$0x2];
	[bflag:$0x3] =	sbarrier.arrive $0xFFFF;
	s2 =	simm.s32 @!p0 $0x1C03  }
0x2cd: {  	[timem:s3], [sflag:s2] =	dma.local @!p0 [hbm:s0], s1  }
0x2ce: {  	s0 =	simm.s32 @!p0 $0x3  }
0x2cf: {  	_ =	swait.ge @!p0 [sflag:s0], s1  }
0x2d0: {  	s1 =	ssub.s32 @!p0 $0x0, s1;
	[sflag:s0] =	ssyncset.done @!p0 $0x0  }
0x2d1: {  	[sflag:s0] =	ssyncadd.s32 @!p0 s1  }
0x2d2: {  	[bflag:$0x3] =	sbarrier.arrive $0xFFFF  }
0x2d3: {  	_ =	shalt  }

</sc_bundles>
